<compile_context>
chip_gen: v7x
topology: tpu7x:2x2x1
jax: 0.10.2.dev20260603
libtpu: 0.0.44.dev20260713+nightly
codegen_flags: <defaults>
</compile_context>

<pallas_src>
import functools

import jax
import jax.numpy as jnp
from jax import lax
from jax.experimental import pallas as pl
from jax.experimental.pallas import tpu as pltpu
from jax.experimental.pallas import tpu_sc as plsc

N = 1_000_000
N_CLASS = 100
N_BINS = 15
PAD_C = 128
NW = 32
NS = 4
NCH = NW * NS
HC = 112
SCHUNK = 7_808
CHUNK = NS * SCHUNK
N_MAIN = NCH * SCHUNK
TAIL = N - N_MAIN
STEPS = SCHUNK // 16
TAIL_STEPS = TAIL // 16
CELLS = 16 * PAD_C

_mesh = plsc.VectorSubcoreMesh(core_axis_name="c", subcore_axis_name="s")
_sc_params = pltpu.CompilerParams(needs_layout_passes=False)


def _wid():
    return lax.axis_index("c") * 16 + lax.axis_index("s")


def _div15(cnt):
    m0 = (cnt.astype(jnp.float32) * jnp.float32(1.0 / 15.0)).astype(jnp.int32)
    return m0 + (cnt >= (m0 + 1) * 15).astype(jnp.int32) \
              - (cnt < m0 * 15).astype(jnp.int32)


@functools.partial(
    pl.kernel,
    out_type=jax.ShapeDtypeStruct((NCH * HC,), jnp.int32),
    mesh=_mesh,
    compiler_params=_sc_params,
    scratch_types=[pltpu.VMEM((CHUNK,), jnp.int32),
                   pltpu.VMEM((TAIL,), jnp.int32),
                   pltpu.VMEM((NS * HC,), jnp.int32)],
)
def _hist_kernel(lab_hbm, hist_out, lab_v, labt_v, h_v):
    w = _wid()
    pltpu.sync_copy(lab_hbm.at[pl.ds(w * CHUNK, CHUNK)], lab_v)

    @pl.when(w == NW - 1)
    def _copy_tail():
        pltpu.sync_copy(lab_hbm.at[pl.ds(N_MAIN, TAIL)], labt_v)
    zi = jnp.zeros((16,), jnp.int32)

    def zero(i, _):
        h_v[pl.ds(i * 16, 16)] = zi
        return 0

    lax.fori_loop(0, NS * HC // 16, zero, 0)
    ones = jnp.ones((16,), jnp.int32)

    def body(i, _):
        o = i * 16

        @plsc.parallel_loop(0, NS, 1, unroll=NS)
        def _streams(s):
            lab = lab_v[pl.ds(s * SCHUNK + o, 16)] + s * HC
            plsc.addupdate_scatter(h_v, [lab], ones)

        return 0

    lax.fori_loop(0, STEPS, body, 0)

    @pl.when(w == NW - 1)
    def _tail():
        def tbody(i, _):
            lab = labt_v[pl.ds(i * 16, 16)] + (NS - 1) * HC
            plsc.addupdate_scatter(h_v, [lab], ones)
            return 0

        lax.fori_loop(0, TAIL_STEPS, tbody, 0)

    pltpu.sync_copy(h_v, hist_out.at[pl.ds(w * NS * HC, NS * HC)])


@functools.partial(
    pl.kernel,
    out_type=jax.ShapeDtypeStruct((NW, CELLS), jnp.float32),
    mesh=_mesh,
    compiler_params=_sc_params,
    scratch_types=[
        pltpu.VMEM((CHUNK,), jnp.int32),
        pltpu.VMEM((CHUNK,), jnp.float32),
        pltpu.VMEM((CHUNK,), jnp.float32),
        pltpu.VMEM((TAIL,), jnp.int32),
        pltpu.VMEM((TAIL,), jnp.float32),
        pltpu.VMEM((TAIL,), jnp.float32),
        pltpu.VMEM((NCH * HC,), jnp.int32),
        pltpu.VMEM((NS * HC,), jnp.int32),
        pltpu.VMEM((HC,), jnp.float32),
        pltpu.VMEM((CELLS,), jnp.float32),
        pltpu.SemaphoreType.DMA,
        pltpu.SemaphoreType.DMA,
        pltpu.SemaphoreType.DMA,
    ],
)
def _main_kernel(cf_hbm, ht_hbm, lab_hbm, hist_hbm, accd_out,
                 lab_v, cf_v, ht_v, labt_v, cft_v, htt_v, hist_v, cnt_v,
                 rcp_v, accd_v, sem1, sem2, sem3):
    w = _wid()
    base = w * CHUNK
    cp1 = pltpu.async_copy(lab_hbm.at[pl.ds(base, CHUNK)], lab_v, sem1)
    cp2 = pltpu.async_copy(cf_hbm.at[pl.ds(base, CHUNK)], cf_v, sem2)
    cp3 = pltpu.async_copy(ht_hbm.at[pl.ds(base, CHUNK)], ht_v, sem3)

    @pl.when(w == NW - 1)
    def _copy_tail():
        pltpu.sync_copy(lab_hbm.at[pl.ds(N_MAIN, TAIL)], labt_v)
        pltpu.sync_copy(cf_hbm.at[pl.ds(N_MAIN, TAIL)], cft_v)
        pltpu.sync_copy(ht_hbm.at[pl.ds(N_MAIN, TAIL)], htt_v)

    pltpu.sync_copy(hist_hbm, hist_v)

    zi = jnp.zeros((16,), jnp.int32)
    c0 = NS * w

    @plsc.parallel_loop(0, HC // 16, 1, unroll=HC // 16)
    def _groups(j):
        def acc_v(v, carry):
            tot, off = carry
            hv = hist_v[pl.ds(v * HC + j * 16, 16)]
            sel = (v < c0).astype(jnp.int32)
            return (tot + hv, off + hv * sel)

        tot, off = lax.fori_loop(0, NCH, acc_v, (zi, zi))
        for s in range(NS):
            cnt_v[pl.ds(s * HC + j * 16, 16)] = off
            if s + 1 < NS:
                off = off + hist_v[pl.ds((c0 + s) * HC + j * 16, 16)]
        m = _div15(tot).astype(jnp.float32)
        rcp_v[pl.ds(j * 16, 16)] = (jnp.float32(1.0) / m) \
            * jnp.float32(1.0 + 2.0 ** -22)

    zf = jnp.zeros((16,), jnp.float32)

    def zero(i, _):
        accd_v[pl.ds(i * 16, 16)] = zf
        return 0

    lax.fori_loop(0, CELLS // 16, zero, 0)
    cp1.wait()
    cp2.wait()
    cp3.wait()

    ones = jnp.ones((16,), jnp.int32)
    tmask = jnp.ones((16,), jnp.bool_)

    def sample16(lab, cf, ht, creg):
        labc = lab + creg
        cbase = plsc.load_gather(cnt_v, [labc])
        occ, _ = plsc.scan_count(lab, mask=tmask)
        rank = cbase + occ.astype(jnp.int32) - 1
        plsc.addupdate_scatter(cnt_v, [labc], ones)
        r = plsc.load_gather(rcp_v, [lab])
        q = (rank.astype(jnp.float32) * r).astype(jnp.int32)
        q = jnp.clip(q, 0, 15)
        idx = q * PAD_C + lab
        plsc.addupdate_scatter(accd_v, [idx], cf - ht)

    def body(i, _):
        o = i * 16

        @plsc.parallel_loop(0, NS, 1, unroll=NS)
        def _streams(s):
            so = s * SCHUNK + o
            sample16(lab_v[pl.ds(so, 16)], cf_v[pl.ds(so, 16)],
                     ht_v[pl.ds(so, 16)], s * HC)

        return 0

    lax.fori_loop(0, STEPS, body, 0)

    @pl.when(w == NW - 1)
    def _tail():
        def tbody(i, _):
            o = i * 16
            sample16(labt_v[pl.ds(o, 16)], cft_v[pl.ds(o, 16)],
                     htt_v[pl.ds(o, 16)], (NS - 1) * HC)
            return 0

        lax.fori_loop(0, TAIL_STEPS, tbody, 0)

    pltpu.sync_copy(accd_v, accd_out.at[w])


def _final_body(accd_ref, hist_ref, out_ref):
    p = accd_ref[0]
    cnt = hist_ref[0]
    for v in range(1, NW):
        p = p + accd_ref[v]
    for v in range(1, NCH):
        cnt = cnt + hist_ref[v]
    mass = _div15(cnt).astype(jnp.float32)
    coef = jnp.float32(1.0) / (mass * jnp.float32(N_BINS * N_CLASS))
    cls = lax.broadcasted_iota(jnp.int32, (1, HC), 1)
    coef = jnp.where(cls < N_CLASS, coef, jnp.float32(0.0))
    coef = jnp.concatenate(
        [coef, jnp.zeros((1, PAD_C - HC), jnp.float32)], axis=1)
    d = jnp.abs(p) * coef
    b = lax.broadcasted_iota(jnp.int32, (16, PAD_C), 0)
    d = jnp.where(b < N_BINS, d, jnp.float32(0.0))
    out_ref[...] = jnp.sum(d).reshape(1, 1)


def kernel(confidences, hits, labels):
    hist = _hist_kernel(labels)
    accd = _main_kernel(confidences, hits, labels, hist)
    out = pl.pallas_call(
        _final_body,
        out_shape=jax.ShapeDtypeStruct((1, 1), jnp.float32),
    )(accd.reshape(NW, 16, PAD_C), hist.reshape(NCH, 1, HC))
    return out[0, 0]

# --- scband reference (transcript-rebuilt; emitter-appended) ---
"""Pipeline reference for scband-msece-62448824484158 (READ-ONLY COPY).

The authoritative reference and input builder live on the scoring server;
editing this copy changes nothing except your own understanding.
"""

import jax, jax.numpy as jnp
import numpy as np

N = 1000000
NUM_CLASS = 100
N_BINS = 15


def setup_inputs(seed: int = 0):
    key = jax.random.key(seed)
    k1, k2, k3 = jax.random.split(key, 3)
    confidences = jax.random.uniform(k1, (N,), dtype=jnp.float32)
    hits = jax.random.randint(k2, (N,), 0, 2).astype(jnp.float32)
    labels = jax.random.randint(k3, (N,), 0, NUM_CLASS, dtype=jnp.int32)
    return {"confidences": confidences, "hits": hits, "labels": labels}


def reference(confidences, hits, labels):
    # Faithful translation of MSECE.forward: per-class boolean select,
    # then contiguous equal-mass slicing into n_bins bins (same order-of-
    # appearance slicing as the original, no confidence sort).
    def class_body(c, cece_numerator):
        mask = labels == c
        rank = jnp.cumsum(mask) - 1
        count = jnp.sum(mask)
        mass_in_bin = count // N_BINS
        mass_f = mass_in_bin.astype(jnp.float32)
        ece = jnp.float32(0.0)
        for i in range(N_BINS):
            in_bin = mask & (rank >= i * mass_in_bin) & (rank < (i + 1) * mass_in_bin)
            Ps = jnp.sum(jnp.where(in_bin, confidences, jnp.float32(0.0))) / mass_f
            acc_in_bin = jnp.sum(jnp.where(in_bin, hits, jnp.float32(0.0))) / mass_f
            ece = ece + jnp.abs(Ps - acc_in_bin) / N_BINS
        return cece_numerator + ece

    cece_numerator = jax.lax.fori_loop(0, NUM_CLASS, class_body, jnp.float32(0.0))
    cece = cece_numerator / NUM_CLASS
    return cece

if __name__ == "__main__":
    import jax
    _d = setup_inputs()
    print(jax.jit(kernel)(*tuple(_d.values())))

</pallas_src>

<mosaic_0001>
#map = affine_map<(d0, d1) -> (0)>
module attributes {stable_mosaic.version = 14 : i64} {
  func.func @_hist_kernel(%arg0: i32, %arg1: i32, %arg2: memref<1000000xi32, #tpu.memory_space<hbm>>, %arg3: memref<14336xi32, #tpu.memory_space<hbm>>, %arg4: memref<31232xi32, #tpu.memory_space<vmem>>, %arg5: memref<576xi32, #tpu.memory_space<vmem>>, %arg6: memref<448xi32, #tpu.memory_space<vmem>>) attributes {dimension_semantics = [#tpu.dimension_semantics<core_parallel>, #tpu.dimension_semantics<subcore_parallel>], iteration_bounds = array<i64: 2, 16>, scalar_prefetch = 0 : i64, scratch_operands = 3 : i64, tpu.core_type = #tpu.core_type<sc_vector_subcore>, window_params = [{transform_indices = #map}, {transform_indices = #map}]} {
    %mul3A = arith.constant 16 : i32
    %mul3A_0 = arith.muli %arg0, %mul3A : i32
    %add3A = arith.addi %mul3A_0, %arg1 : i32
    %mul3A_1 = arith.constant 31232 : i32
    %mul3A_2 = arith.muli %add3A, %mul3A_1 : i32
    "tpu.region"() ({
      %run_scoped3A = tpu.sem_alloc : memref<!tpu.dma_semaphore, #tpu.memory_space<semaphore_mem>>
      %dma_start3A = tpu.memref_slice %arg2[%mul3A_2] : memref<1000000xi32, #tpu.memory_space<hbm>> -> memref<31232xi32, #tpu.memory_space<hbm>>
      %dma_start3A_30 = tpu.memref_slice %arg2[%mul3A_2] : memref<1000000xi32, #tpu.memory_space<hbm>> -> memref<31232xi32, #tpu.memory_space<hbm>>
      tpu.enqueue_dma source(%dma_start3A_30 : memref<31232xi32, #tpu.memory_space<hbm>>) target(%arg4 : memref<31232xi32, #tpu.memory_space<vmem>>) target_semaphore(%run_scoped3A : memref<!tpu.dma_semaphore, #tpu.memory_space<semaphore_mem>>)
      %dma_wait3A = tpu.memref_slice %arg2[%mul3A_2] : memref<1000000xi32, #tpu.memory_space<hbm>> -> memref<31232xi32, #tpu.memory_space<hbm>>
      %dma_wait3A_31 = tpu.memref_slice %arg2[%mul3A_2] : memref<1000000xi32, #tpu.memory_space<hbm>> -> memref<31232xi32, #tpu.memory_space<hbm>>
      tpu.wait_dma2 semaphore(%run_scoped3A : memref<!tpu.dma_semaphore, #tpu.memory_space<semaphore_mem>>) src(%dma_wait3A_31 : memref<31232xi32, #tpu.memory_space<hbm>>) dst(%arg4 : memref<31232xi32, #tpu.memory_space<vmem>>)
      tpu.yield
    }) : () -> ()
    %eq3A = arith.constant 31 : i32
    %eq3A_3 = arith.cmpi eq, %add3A, %eq3A : i32
    %convert_element_type3A = arith.extui %eq3A_3 : i1 to i32
    %cond3A = arith.constant 0 : i32
    %cond3A_4 = arith.cmpi ne, %convert_element_type3A, %cond3A : i32
    scf.if %cond3A_4 {
      "tpu.region"() ({
        %run_scoped3A = tpu.sem_alloc : memref<!tpu.dma_semaphore, #tpu.memory_space<semaphore_mem>>
        %dma_start3A = arith.constant 999424 : i32
        %dma_start3A_30 = tpu.memref_slice %arg2[%dma_start3A] : memref<1000000xi32, #tpu.memory_space<hbm>> -> memref<576xi32, #tpu.memory_space<hbm>>
        %dma_start3A_31 = arith.constant 999424 : i32
        %dma_start3A_32 = tpu.memref_slice %arg2[%dma_start3A_31] : memref<1000000xi32, #tpu.memory_space<hbm>> -> memref<576xi32, #tpu.memory_space<hbm>>
        tpu.enqueue_dma source(%dma_start3A_32 : memref<576xi32, #tpu.memory_space<hbm>>) target(%arg5 : memref<576xi32, #tpu.memory_space<vmem>>) target_semaphore(%run_scoped3A : memref<!tpu.dma_semaphore, #tpu.memory_space<semaphore_mem>>)
        %dma_wait3A = arith.constant 999424 : i32
        %dma_wait3A_33 = tpu.memref_slice %arg2[%dma_wait3A] : memref<1000000xi32, #tpu.memory_space<hbm>> -> memref<576xi32, #tpu.memory_space<hbm>>
        %dma_wait3A_34 = arith.constant 999424 : i32
        %dma_wait3A_35 = tpu.memref_slice %arg2[%dma_wait3A_34] : memref<1000000xi32, #tpu.memory_space<hbm>> -> memref<576xi32, #tpu.memory_space<hbm>>
        tpu.wait_dma2 semaphore(%run_scoped3A : memref<!tpu.dma_semaphore, #tpu.memory_space<semaphore_mem>>) src(%dma_wait3A_35 : memref<576xi32, #tpu.memory_space<hbm>>) dst(%arg5 : memref<576xi32, #tpu.memory_space<vmem>>)
        tpu.yield
      }) : () -> ()
    } else {
    }
    %broadcast_in_dim3A = arith.constant 0 : i32
    %broadcast_in_dim3A_5 = vector.broadcast %broadcast_in_dim3A : i32 to vector<16xi32>
    %scan3A = arith.constant 0 : i32
    %scan3A_6 = arith.constant 0 : i32
    %scan3A_7 = arith.constant 28 : i32
    %scan3A_8 = arith.addi %scan3A_6, %scan3A_7 : i32
    %scan3A_9 = arith.constant 1 : i32
    %scan3A_10 = scf.for %scan3A_30 = %scan3A_6 to %scan3A_8 step %scan3A_9 iter_args(%scan3A_31 = %scan3A) -> (i32)  : i32 {
      %mul3A_32 = arith.constant 16 : i32
      %mul3A_33 = arith.muli %scan3A_30, %mul3A_32 : i32
      %swap3A = arith.index_cast %mul3A_33 : i32 to index
      %swap3A_34 = tpu.vector_load %arg6[%swap3A] {strides = array<i32>} : memref<448xi32, #tpu.memory_space<vmem>>, vector<16xi32>,
      tpu.vector_store %arg6[%swap3A], %broadcast_in_dim3A_5 {strides = array<i32>} : memref<448xi32, #tpu.memory_space<vmem>>, vector<16xi32>,
      %scan3A_35 = arith.constant 0 : i32
      scf.yield %scan3A_35 : i32
    }
    %scan3A_11 = arith.constant 28 : i32
    %broadcast_in_dim3A_12 = arith.constant 1 : i32
    %broadcast_in_dim3A_13 = vector.broadcast %broadcast_in_dim3A_12 : i32 to vector<16xi32>
    %scan3A_14 = arith.constant 0 : i32
    %scan3A_15 = arith.constant 0 : i32
    %scan3A_16 = arith.constant 488 : i32
    %scan3A_17 = arith.addi %scan3A_15, %scan3A_16 : i32
    %scan3A_18 = arith.constant 1 : i32
    %scan3A_19 = scf.for %scan3A_30 = %scan3A_15 to %scan3A_17 step %scan3A_18 iter_args(%scan3A_31 = %scan3A_14) -> (i32)  : i32 {
      %mul3A_32 = arith.constant 16 : i32
      %mul3A_33 = arith.muli %scan3A_30, %mul3A_32 : i32
      %parallel_loop3A = arith.constant 0 : i32
      %parallel_loop3A_34 = arith.constant 4 : i32
      %parallel_loop3A_35 = arith.constant 1 : i32
      scf.for %parallel_loop3A_37 = %parallel_loop3A to %parallel_loop3A_34 step %parallel_loop3A_35  : i32 {
        %parallel_loop3A_38 = arith.constant 7808 : i32
        %parallel_loop3A_39 = arith.muli %parallel_loop3A_37, %parallel_loop3A_38 : i32
        %parallel_loop3A_40 = arith.addi %parallel_loop3A_39, %mul3A_33 : i32
        %parallel_loop3A_41 = arith.index_cast %parallel_loop3A_40 : i32 to index
        %parallel_loop3A_42 = tpu.vector_load %arg4[%parallel_loop3A_41] {strides = array<i32>} : memref<31232xi32, #tpu.memory_space<vmem>>, vector<16xi32>,
        %parallel_loop3A_43 = arith.constant 112 : i32
        %parallel_loop3A_44 = arith.muli %parallel_loop3A_37, %parallel_loop3A_43 : i32
        %parallel_loop3A_45 = vector.broadcast %parallel_loop3A_44 : i32 to vector<16xi32>
        %parallel_loop3A_46 = arith.addi %parallel_loop3A_42, %parallel_loop3A_45 : vector<16xi32>
        tpu.vector_store_idx %arg6[%parallel_loop3A_46], %broadcast_in_dim3A_13 {add = true} : memref<448xi32, #tpu.memory_space<vmem>>[vector<16xi32>], vector<16xi32>,
      } {sc.loop_unroll_factor = 4 : i64, sc.parallel_access}
      %scan3A_36 = arith.constant 0 : i32
      scf.yield %scan3A_36 : i32
    }
    %scan3A_20 = arith.constant 488 : i32
    %eq3A_21 = arith.constant 31 : i32
    %eq3A_22 = arith.cmpi eq, %add3A, %eq3A_21 : i32
    %convert_element_type3A_23 = arith.extui %eq3A_22 : i1 to i32
    %cond3A_24 = arith.constant 0 : i32
    %cond3A_25 = arith.cmpi ne, %convert_element_type3A_23, %cond3A_24 : i32
    scf.if %cond3A_25 {
      %scan3A_30 = arith.constant 0 : i32
      %scan3A_31 = arith.constant 0 : i32
      %scan3A_32 = arith.constant 36 : i32
      %scan3A_33 = arith.addi %scan3A_31, %scan3A_32 : i32
      %scan3A_34 = arith.constant 1 : i32
      %scan3A_35 = scf.for %scan3A_37 = %scan3A_31 to %scan3A_33 step %scan3A_34 iter_args(%scan3A_38 = %scan3A_30) -> (i32)  : i32 {
        %mul3A_39 = arith.constant 16 : i32
        %mul3A_40 = arith.muli %scan3A_37, %mul3A_39 : i32
        %get3A = arith.index_cast %mul3A_40 : i32 to index
        %get3A_41 = tpu.vector_load %arg5[%get3A] {strides = array<i32>} : memref<576xi32, #tpu.memory_space<vmem>>, vector<16xi32>,
        %add3A_42 = arith.constant 336 : i32
        %add3A_43 = vector.broadcast %add3A_42 : i32 to vector<16xi32>
        %add3A_44 = arith.addi %get3A_41, %add3A_43 : vector<16xi32>
        tpu.vector_store_idx %arg6[%add3A_44], %broadcast_in_dim3A_13 {add = true} : memref<448xi32, #tpu.memory_space<vmem>>[vector<16xi32>], vector<16xi32>,
        %scan3A_45 = arith.constant 0 : i32
        scf.yield %scan3A_45 : i32
      }
      %scan3A_36 = arith.constant 36 : i32
    } else {
    }
    %mul3A_26 = arith.constant 4 : i32
    %mul3A_27 = arith.muli %add3A, %mul3A_26 : i32
    %mul3A_28 = arith.constant 112 : i32
    %mul3A_29 = arith.muli %mul3A_27, %mul3A_28 : i32
    "tpu.region"() ({
      %run_scoped3A = tpu.sem_alloc : memref<!tpu.dma_semaphore, #tpu.memory_space<semaphore_mem>>
      %dma_start3A = tpu.memref_slice %arg3[%mul3A_29] : memref<14336xi32, #tpu.memory_space<hbm>> -> memref<448xi32, #tpu.memory_space<hbm>>
      %dma_start3A_30 = tpu.memref_slice %arg3[%mul3A_29] : memref<14336xi32, #tpu.memory_space<hbm>> -> memref<448xi32, #tpu.memory_space<hbm>>
      tpu.enqueue_dma source(%arg6 : memref<448xi32, #tpu.memory_space<vmem>>) target(%dma_start3A_30 : memref<448xi32, #tpu.memory_space<hbm>>) target_semaphore(%run_scoped3A : memref<!tpu.dma_semaphore, #tpu.memory_space<semaphore_mem>>)
      %dma_wait3A = tpu.memref_slice %arg3[%mul3A_29] : memref<14336xi32, #tpu.memory_space<hbm>> -> memref<448xi32, #tpu.memory_space<hbm>>
      %dma_wait3A_31 = tpu.memref_slice %arg3[%mul3A_29] : memref<14336xi32, #tpu.memory_space<hbm>> -> memref<448xi32, #tpu.memory_space<hbm>>
      tpu.wait_dma2 semaphore(%run_scoped3A : memref<!tpu.dma_semaphore, #tpu.memory_space<semaphore_mem>>) src(%arg6 : memref<448xi32, #tpu.memory_space<vmem>>) dst(%dma_wait3A_31 : memref<448xi32, #tpu.memory_space<hbm>>)
      tpu.yield
    }) : () -> ()
    return
  }
}

#map = affine_map<(d0, d1) -> (0)>
#map1 = affine_map<(d0, d1) -> (0, 0)>
module attributes {stable_mosaic.version = 14 : i64} {
  func.func @_main_kernel(%arg0: i32, %arg1: i32, %arg2: memref<1000000xf32, #tpu.memory_space<hbm>>, %arg3: memref<1000000xf32, #tpu.memory_space<hbm>>, %arg4: memref<1000000xi32, #tpu.memory_space<hbm>>, %arg5: memref<14336xi32, #tpu.memory_space<hbm>>, %arg6: memref<32x2048xf32, #tpu.memory_space<hbm>>, %arg7: memref<31232xi32, #tpu.memory_space<vmem>>, %arg8: memref<31232xf32, #tpu.memory_space<vmem>>, %arg9: memref<31232xf32, #tpu.memory_space<vmem>>, %arg10: memref<576xi32, #tpu.memory_space<vmem>>, %arg11: memref<576xf32, #tpu.memory_space<vmem>>, %arg12: memref<576xf32, #tpu.memory_space<vmem>>, %arg13: memref<14336xi32, #tpu.memory_space<vmem>>, %arg14: memref<448xi32, #tpu.memory_space<vmem>>, %arg15: memref<112xf32, #tpu.memory_space<vmem>>, %arg16: memref<2048xf32, #tpu.memory_space<vmem>>, %arg17: memref<!tpu.dma_semaphore, #tpu.memory_space<semaphore_mem>>, %arg18: memref<!tpu.dma_semaphore, #tpu.memory_space<semaphore_mem>>, %arg19: memref<!tpu.dma_semaphore, #tpu.memory_space<semaphore_mem>>) attributes {dimension_semantics = [#tpu.dimension_semantics<core_parallel>, #tpu.dimension_semantics<subcore_parallel>], iteration_bounds = array<i64: 2, 16>, scalar_prefetch = 0 : i64, scratch_operands = 13 : i64, tpu.core_type = #tpu.core_type<sc_vector_subcore>, window_params = [{transform_indices = #map}, {transform_indices = #map}, {transform_indices = #map}, {transform_indices = #map}, {transform_indices = #map1}]} {
    %mul3A = arith.constant 16 : i32
    %mul3A_0 = arith.muli %arg0, %mul3A : i32
    %add3A = arith.addi %mul3A_0, %arg1 : i32
    %mul3A_1 = arith.constant 31232 : i32
    %mul3A_2 = arith.muli %add3A, %mul3A_1 : i32
    %dma_start3A = tpu.memref_slice %arg4[%mul3A_2] : memref<1000000xi32, #tpu.memory_space<hbm>> -> memref<31232xi32, #tpu.memory_space<hbm>>
    %dma_start3A_3 = tpu.memref_slice %arg4[%mul3A_2] : memref<1000000xi32, #tpu.memory_space<hbm>> -> memref<31232xi32, #tpu.memory_space<hbm>>
    tpu.enqueue_dma source(%dma_start3A_3 : memref<31232xi32, #tpu.memory_space<hbm>>) target(%arg7 : memref<31232xi32, #tpu.memory_space<vmem>>) target_semaphore(%arg17 : memref<!tpu.dma_semaphore, #tpu.memory_space<semaphore_mem>>)
    %dma_start3A_4 = tpu.memref_slice %arg2[%mul3A_2] : memref<1000000xf32, #tpu.memory_space<hbm>> -> memref<31232xf32, #tpu.memory_space<hbm>>
    %dma_start3A_5 = tpu.memref_slice %arg2[%mul3A_2] : memref<1000000xf32, #tpu.memory_space<hbm>> -> memref<31232xf32, #tpu.memory_space<hbm>>
    tpu.enqueue_dma source(%dma_start3A_5 : memref<31232xf32, #tpu.memory_space<hbm>>) target(%arg8 : memref<31232xf32, #tpu.memory_space<vmem>>) target_semaphore(%arg18 : memref<!tpu.dma_semaphore, #tpu.memory_space<semaphore_mem>>)
    %dma_start3A_6 = tpu.memref_slice %arg3[%mul3A_2] : memref<1000000xf32, #tpu.memory_space<hbm>> -> memref<31232xf32, #tpu.memory_space<hbm>>
    %dma_start3A_7 = tpu.memref_slice %arg3[%mul3A_2] : memref<1000000xf32, #tpu.memory_space<hbm>> -> memref<31232xf32, #tpu.memory_space<hbm>>
    tpu.enqueue_dma source(%dma_start3A_7 : memref<31232xf32, #tpu.memory_space<hbm>>) target(%arg9 : memref<31232xf32, #tpu.memory_space<vmem>>) target_semaphore(%arg19 : memref<!tpu.dma_semaphore, #tpu.memory_space<semaphore_mem>>)
    %eq3A = arith.constant 31 : i32
    %eq3A_8 = arith.cmpi eq, %add3A, %eq3A : i32
    %convert_element_type3A = arith.extui %eq3A_8 : i1 to i32
    %cond3A = arith.constant 0 : i32
    %cond3A_9 = arith.cmpi ne, %convert_element_type3A, %cond3A : i32
    scf.if %cond3A_9 {
      "tpu.region"() ({
        %run_scoped3A = tpu.sem_alloc : memref<!tpu.dma_semaphore, #tpu.memory_space<semaphore_mem>>
        %dma_start3A_44 = arith.constant 999424 : i32
        %dma_start3A_45 = tpu.memref_slice %arg4[%dma_start3A_44] : memref<1000000xi32, #tpu.memory_space<hbm>> -> memref<576xi32, #tpu.memory_space<hbm>>
        %dma_start3A_46 = arith.constant 999424 : i32
        %dma_start3A_47 = tpu.memref_slice %arg4[%dma_start3A_46] : memref<1000000xi32, #tpu.memory_space<hbm>> -> memref<576xi32, #tpu.memory_space<hbm>>
        tpu.enqueue_dma source(%dma_start3A_47 : memref<576xi32, #tpu.memory_space<hbm>>) target(%arg10 : memref<576xi32, #tpu.memory_space<vmem>>) target_semaphore(%run_scoped3A : memref<!tpu.dma_semaphore, #tpu.memory_space<semaphore_mem>>)
        %dma_wait3A_48 = arith.constant 999424 : i32
        %dma_wait3A_49 = tpu.memref_slice %arg4[%dma_wait3A_48] : memref<1000000xi32, #tpu.memory_space<hbm>> -> memref<576xi32, #tpu.memory_space<hbm>>
        %dma_wait3A_50 = arith.constant 999424 : i32
        %dma_wait3A_51 = tpu.memref_slice %arg4[%dma_wait3A_50] : memref<1000000xi32, #tpu.memory_space<hbm>> -> memref<576xi32, #tpu.memory_space<hbm>>
        tpu.wait_dma2 semaphore(%run_scoped3A : memref<!tpu.dma_semaphore, #tpu.memory_space<semaphore_mem>>) src(%dma_wait3A_51 : memref<576xi32, #tpu.memory_space<hbm>>) dst(%arg10 : memref<576xi32, #tpu.memory_space<vmem>>)
        tpu.yield
      }) : () -> ()
      "tpu.region"() ({
        %run_scoped3A = tpu.sem_alloc : memref<!tpu.dma_semaphore, #tpu.memory_space<semaphore_mem>>
        %dma_start3A_44 = arith.constant 999424 : i32
        %dma_start3A_45 = tpu.memref_slice %arg2[%dma_start3A_44] : memref<1000000xf32, #tpu.memory_space<hbm>> -> memref<576xf32, #tpu.memory_space<hbm>>
        %dma_start3A_46 = arith.constant 999424 : i32
        %dma_start3A_47 = tpu.memref_slice %arg2[%dma_start3A_46] : memref<1000000xf32, #tpu.memory_space<hbm>> -> memref<576xf32, #tpu.memory_space<hbm>>
        tpu.enqueue_dma source(%dma_start3A_47 : memref<576xf32, #tpu.memory_space<hbm>>) target(%arg11 : memref<576xf32, #tpu.memory_space<vmem>>) target_semaphore(%run_scoped3A : memref<!tpu.dma_semaphore, #tpu.memory_space<semaphore_mem>>)
        %dma_wait3A_48 = arith.constant 999424 : i32
        %dma_wait3A_49 = tpu.memref_slice %arg2[%dma_wait3A_48] : memref<1000000xf32, #tpu.memory_space<hbm>> -> memref<576xf32, #tpu.memory_space<hbm>>
        %dma_wait3A_50 = arith.constant 999424 : i32
        %dma_wait3A_51 = tpu.memref_slice %arg2[%dma_wait3A_50] : memref<1000000xf32, #tpu.memory_space<hbm>> -> memref<576xf32, #tpu.memory_space<hbm>>
        tpu.wait_dma2 semaphore(%run_scoped3A : memref<!tpu.dma_semaphore, #tpu.memory_space<semaphore_mem>>) src(%dma_wait3A_51 : memref<576xf32, #tpu.memory_space<hbm>>) dst(%arg11 : memref<576xf32, #tpu.memory_space<vmem>>)
        tpu.yield
      }) : () -> ()
      "tpu.region"() ({
        %run_scoped3A = tpu.sem_alloc : memref<!tpu.dma_semaphore, #tpu.memory_space<semaphore_mem>>
        %dma_start3A_44 = arith.constant 999424 : i32
        %dma_start3A_45 = tpu.memref_slice %arg3[%dma_start3A_44] : memref<1000000xf32, #tpu.memory_space<hbm>> -> memref<576xf32, #tpu.memory_space<hbm>>
        %dma_start3A_46 = arith.constant 999424 : i32
        %dma_start3A_47 = tpu.memref_slice %arg3[%dma_start3A_46] : memref<1000000xf32, #tpu.memory_space<hbm>> -> memref<576xf32, #tpu.memory_space<hbm>>
        tpu.enqueue_dma source(%dma_start3A_47 : memref<576xf32, #tpu.memory_space<hbm>>) target(%arg12 : memref<576xf32, #tpu.memory_space<vmem>>) target_semaphore(%run_scoped3A : memref<!tpu.dma_semaphore, #tpu.memory_space<semaphore_mem>>)
        %dma_wait3A_48 = arith.constant 999424 : i32
        %dma_wait3A_49 = tpu.memref_slice %arg3[%dma_wait3A_48] : memref<1000000xf32, #tpu.memory_space<hbm>> -> memref<576xf32, #tpu.memory_space<hbm>>
        %dma_wait3A_50 = arith.constant 999424 : i32
        %dma_wait3A_51 = tpu.memref_slice %arg3[%dma_wait3A_50] : memref<1000000xf32, #tpu.memory_space<hbm>> -> memref<576xf32, #tpu.memory_space<hbm>>
        tpu.wait_dma2 semaphore(%run_scoped3A : memref<!tpu.dma_semaphore, #tpu.memory_space<semaphore_mem>>) src(%dma_wait3A_51 : memref<576xf32, #tpu.memory_space<hbm>>) dst(%arg12 : memref<576xf32, #tpu.memory_space<vmem>>)
        tpu.yield
      }) : () -> ()
    } else {
    }
    "tpu.region"() ({
      %run_scoped3A = tpu.sem_alloc : memref<!tpu.dma_semaphore, #tpu.memory_space<semaphore_mem>>
      tpu.enqueue_dma source(%arg5 : memref<14336xi32, #tpu.memory_space<hbm>>) target(%arg13 : memref<14336xi32, #tpu.memory_space<vmem>>) target_semaphore(%run_scoped3A : memref<!tpu.dma_semaphore, #tpu.memory_space<semaphore_mem>>)
      tpu.wait_dma2 semaphore(%run_scoped3A : memref<!tpu.dma_semaphore, #tpu.memory_space<semaphore_mem>>) src(%arg5 : memref<14336xi32, #tpu.memory_space<hbm>>) dst(%arg13 : memref<14336xi32, #tpu.memory_space<vmem>>)
      tpu.yield
    }) : () -> ()
    %broadcast_in_dim3A = arith.constant 0 : i32
    %broadcast_in_dim3A_10 = vector.broadcast %broadcast_in_dim3A : i32 to vector<16xi32>
    %mul3A_11 = arith.constant 4 : i32
    %mul3A_12 = arith.muli %mul3A_11, %add3A : i32
    %parallel_loop3A = arith.constant 0 : i32
    %parallel_loop3A_13 = arith.constant 7 : i32
    %parallel_loop3A_14 = arith.constant 1 : i32
    scf.for %parallel_loop3A_44 = %parallel_loop3A to %parallel_loop3A_13 step %parallel_loop3A_14  : i32 {
      %parallel_loop3A_45 = arith.constant 0 : i32
      %parallel_loop3A_46 = arith.constant 128 : i32
      %parallel_loop3A_47 = arith.addi %parallel_loop3A_45, %parallel_loop3A_46 : i32
      %parallel_loop3A_48 = arith.constant 1 : i32
      %parallel_loop3A_49:2 = scf.for %scan3A_136 = %parallel_loop3A_45 to %parallel_loop3A_47 step %parallel_loop3A_48 iter_args(%scan3A_137 = %broadcast_in_dim3A_10, %scan3A_138 = %broadcast_in_dim3A_10) -> (vector<16xi32>, vector<16xi32>)  : i32 {
        %parallel_loop3A_139 = arith.constant 112 : i32
        %parallel_loop3A_140 = arith.muli %scan3A_136, %parallel_loop3A_139 : i32
        %parallel_loop3A_141 = arith.constant 16 : i32
        %parallel_loop3A_142 = arith.muli %parallel_loop3A_44, %parallel_loop3A_141 : i32
        %parallel_loop3A_143 = arith.addi %parallel_loop3A_140, %parallel_loop3A_142 : i32
        %parallel_loop3A_144 = arith.index_cast %parallel_loop3A_143 : i32 to index
        %parallel_loop3A_145 = tpu.vector_load %arg13[%parallel_loop3A_144] {strides = array<i32>} : memref<14336xi32, #tpu.memory_space<vmem>>, vector<16xi32>,
        %parallel_loop3A_146 = arith.cmpi slt, %scan3A_136, %mul3A_12 : i32
        %parallel_loop3A_147 = arith.extui %parallel_loop3A_146 : i1 to i32
        %parallel_loop3A_148 = arith.addi %scan3A_137, %parallel_loop3A_145 : vector<16xi32>
        %parallel_loop3A_149 = vector.broadcast %parallel_loop3A_147 : i32 to vector<16xi32>
        %parallel_loop3A_150 = arith.muli %parallel_loop3A_145, %parallel_loop3A_149 : vector<16xi32>
        %parallel_loop3A_151 = arith.addi %scan3A_138, %parallel_loop3A_150 : vector<16xi32>
        scf.yield %parallel_loop3A_148, %parallel_loop3A_151 : vector<16xi32>, vector<16xi32>
      }
      %parallel_loop3A_50 = arith.constant 128 : i32
      %parallel_loop3A_51 = arith.constant 16 : i32
      %parallel_loop3A_52 = arith.muli %parallel_loop3A_44, %parallel_loop3A_51 : i32
      %parallel_loop3A_53 = arith.constant 0 : i32
      %parallel_loop3A_54 = arith.addi %parallel_loop3A_53, %parallel_loop3A_52 : i32
      %parallel_loop3A_55 = arith.index_cast %parallel_loop3A_54 : i32 to index
      %parallel_loop3A_56 = tpu.vector_load %arg14[%parallel_loop3A_55] {strides = array<i32>} : memref<448xi32, #tpu.memory_space<vmem>>, vector<16xi32>,
      tpu.vector_store %arg14[%parallel_loop3A_55], %parallel_loop3A_49#1 {strides = array<i32>} : memref<448xi32, #tpu.memory_space<vmem>>, vector<16xi32>,
      %parallel_loop3A_57 = arith.constant 0 : i32
      %parallel_loop3A_58 = arith.addi %mul3A_12, %parallel_loop3A_57 : i32
      %parallel_loop3A_59 = arith.constant 112 : i32
      %parallel_loop3A_60 = arith.muli %parallel_loop3A_58, %parallel_loop3A_59 : i32
      %parallel_loop3A_61 = arith.constant 16 : i32
      %parallel_loop3A_62 = arith.muli %parallel_loop3A_44, %parallel_loop3A_61 : i32
      %parallel_loop3A_63 = arith.addi %parallel_loop3A_60, %parallel_loop3A_62 : i32
      %parallel_loop3A_64 = arith.index_cast %parallel_loop3A_63 : i32 to index
      %parallel_loop3A_65 = tpu.vector_load %arg13[%parallel_loop3A_64] {strides = array<i32>} : memref<14336xi32, #tpu.memory_space<vmem>>, vector<16xi32>,
      %parallel_loop3A_66 = arith.addi %parallel_loop3A_49#1, %parallel_loop3A_65 : vector<16xi32>
      %parallel_loop3A_67 = arith.constant 16 : i32
      %parallel_loop3A_68 = arith.muli %parallel_loop3A_44, %parallel_loop3A_67 : i32
      %parallel_loop3A_69 = arith.constant 112 : i32
      %parallel_loop3A_70 = arith.addi %parallel_loop3A_69, %parallel_loop3A_68 : i32
      %parallel_loop3A_71 = arith.index_cast %parallel_loop3A_70 : i32 to index
      %parallel_loop3A_72 = tpu.vector_load %arg14[%parallel_loop3A_71] {strides = array<i32>} : memref<448xi32, #tpu.memory_space<vmem>>, vector<16xi32>,
      tpu.vector_store %arg14[%parallel_loop3A_71], %parallel_loop3A_66 {strides = array<i32>} : memref<448xi32, #tpu.memory_space<vmem>>, vector<16xi32>,
      %parallel_loop3A_73 = arith.constant 1 : i32
      %parallel_loop3A_74 = arith.addi %mul3A_12, %parallel_loop3A_73 : i32
      %parallel_loop3A_75 = arith.constant 112 : i32
      %parallel_loop3A_76 = arith.muli %parallel_loop3A_74, %parallel_loop3A_75 : i32
      %parallel_loop3A_77 = arith.constant 16 : i32
      %parallel_loop3A_78 = arith.muli %parallel_loop3A_44, %parallel_loop3A_77 : i32
      %parallel_loop3A_79 = arith.addi %parallel_loop3A_76, %parallel_loop3A_78 : i32
      %parallel_loop3A_80 = arith.index_cast %parallel_loop3A_79 : i32 to index
      %parallel_loop3A_81 = tpu.vector_load %arg13[%parallel_loop3A_80] {strides = array<i32>} : memref<14336xi32, #tpu.memory_space<vmem>>, vector<16xi32>,
      %parallel_loop3A_82 = arith.addi %parallel_loop3A_66, %parallel_loop3A_81 : vector<16xi32>
      %parallel_loop3A_83 = arith.constant 16 : i32
      %parallel_loop3A_84 = arith.muli %parallel_loop3A_44, %parallel_loop3A_83 : i32
      %parallel_loop3A_85 = arith.constant 224 : i32
      %parallel_loop3A_86 = arith.addi %parallel_loop3A_85, %parallel_loop3A_84 : i32
      %parallel_loop3A_87 = arith.index_cast %parallel_loop3A_86 : i32 to index
      %parallel_loop3A_88 = tpu.vector_load %arg14[%parallel_loop3A_87] {strides = array<i32>} : memref<448xi32, #tpu.memory_space<vmem>>, vector<16xi32>,
      tpu.vector_store %arg14[%parallel_loop3A_87], %parallel_loop3A_82 {strides = array<i32>} : memref<448xi32, #tpu.memory_space<vmem>>, vector<16xi32>,
      %parallel_loop3A_89 = arith.constant 2 : i32
      %parallel_loop3A_90 = arith.addi %mul3A_12, %parallel_loop3A_89 : i32
      %parallel_loop3A_91 = arith.constant 112 : i32
      %parallel_loop3A_92 = arith.muli %parallel_loop3A_90, %parallel_loop3A_91 : i32
      %parallel_loop3A_93 = arith.constant 16 : i32
      %parallel_loop3A_94 = arith.muli %parallel_loop3A_44, %parallel_loop3A_93 : i32
      %parallel_loop3A_95 = arith.addi %parallel_loop3A_92, %parallel_loop3A_94 : i32
      %parallel_loop3A_96 = arith.index_cast %parallel_loop3A_95 : i32 to index
      %parallel_loop3A_97 = tpu.vector_load %arg13[%parallel_loop3A_96] {strides = array<i32>} : memref<14336xi32, #tpu.memory_space<vmem>>, vector<16xi32>,
      %parallel_loop3A_98 = arith.addi %parallel_loop3A_82, %parallel_loop3A_97 : vector<16xi32>
      %parallel_loop3A_99 = arith.constant 16 : i32
      %parallel_loop3A_100 = arith.muli %parallel_loop3A_44, %parallel_loop3A_99 : i32
      %parallel_loop3A_101 = arith.constant 336 : i32
      %parallel_loop3A_102 = arith.addi %parallel_loop3A_101, %parallel_loop3A_100 : i32
      %parallel_loop3A_103 = arith.index_cast %parallel_loop3A_102 : i32 to index
      %parallel_loop3A_104 = tpu.vector_load %arg14[%parallel_loop3A_103] {strides = array<i32>} : memref<448xi32, #tpu.memory_space<vmem>>, vector<16xi32>,
      tpu.vector_store %arg14[%parallel_loop3A_103], %parallel_loop3A_98 {strides = array<i32>} : memref<448xi32, #tpu.memory_space<vmem>>, vector<16xi32>,
      %parallel_loop3A_105 = arith.sitofp %parallel_loop3A_49#0 : vector<16xi32> to vector<16xf32>
      %parallel_loop3A_106 = arith.constant 0.0666666701 : f32
      %parallel_loop3A_107 = vector.broadcast %parallel_loop3A_106 : f32 to vector<16xf32>
      %parallel_loop3A_108 = arith.mulf %parallel_loop3A_105, %parallel_loop3A_107 : vector<16xf32>
      %parallel_loop3A_109 = arith.fptosi %parallel_loop3A_108 : vector<16xf32> to vector<16xi32>
      %parallel_loop3A_110 = arith.constant 1 : i32
      %parallel_loop3A_111 = vector.broadcast %parallel_loop3A_110 : i32 to vector<16xi32>
      %parallel_loop3A_112 = arith.addi %parallel_loop3A_109, %parallel_loop3A_111 : vector<16xi32>
      %parallel_loop3A_113 = arith.constant 15 : i32
      %parallel_loop3A_114 = vector.broadcast %parallel_loop3A_113 : i32 to vector<16xi32>
      %parallel_loop3A_115 = arith.muli %parallel_loop3A_112, %parallel_loop3A_114 : vector<16xi32>
      %parallel_loop3A_116 = arith.cmpi sge, %parallel_loop3A_49#0, %parallel_loop3A_115 : vector<16xi32>
      %parallel_loop3A_117 = arith.extui %parallel_loop3A_116 : vector<16xi1> to vector<16xi32>
      %parallel_loop3A_118 = arith.addi %parallel_loop3A_109, %parallel_loop3A_117 : vector<16xi32>
      %parallel_loop3A_119 = arith.constant 15 : i32
      %parallel_loop3A_120 = vector.broadcast %parallel_loop3A_119 : i32 to vector<16xi32>
      %parallel_loop3A_121 = arith.muli %parallel_loop3A_109, %parallel_loop3A_120 : vector<16xi32>
      %parallel_loop3A_122 = arith.cmpi slt, %parallel_loop3A_49#0, %parallel_loop3A_121 : vector<16xi32>
      %parallel_loop3A_123 = arith.extui %parallel_loop3A_122 : vector<16xi1> to vector<16xi32>
      %parallel_loop3A_124 = arith.subi %parallel_loop3A_118, %parallel_loop3A_123 : vector<16xi32>
      %parallel_loop3A_125 = arith.sitofp %parallel_loop3A_124 : vector<16xi32> to vector<16xf32>
      %parallel_loop3A_126 = arith.constant 1.000000e+00 : f32
      %parallel_loop3A_127 = vector.broadcast %parallel_loop3A_126 : f32 to vector<16xf32>
      %parallel_loop3A_128 = arith.divf %parallel_loop3A_127, %parallel_loop3A_125 : vector<16xf32>
      %parallel_loop3A_129 = arith.constant 1.00000024 : f32
      %parallel_loop3A_130 = vector.broadcast %parallel_loop3A_129 : f32 to vector<16xf32>
      %parallel_loop3A_131 = arith.mulf %parallel_loop3A_128, %parallel_loop3A_130 : vector<16xf32>
      %parallel_loop3A_132 = arith.constant 16 : i32
      %parallel_loop3A_133 = arith.muli %parallel_loop3A_44, %parallel_loop3A_132 : i32
      %parallel_loop3A_134 = arith.index_cast %parallel_loop3A_133 : i32 to index
      %parallel_loop3A_135 = tpu.vector_load %arg15[%parallel_loop3A_134] {strides = array<i32>} : memref<112xf32, #tpu.memory_space<vmem>>, vector<16xf32>,
      tpu.vector_store %arg15[%parallel_loop3A_134], %parallel_loop3A_131 {strides = array<i32>} : memref<112xf32, #tpu.memory_space<vmem>>, vector<16xf32>,
    } {sc.loop_unroll_factor = 7 : i64, sc.parallel_access}
    %broadcast_in_dim3A_15 = arith.constant 0.000000e+00 : f32
    %broadcast_in_dim3A_16 = vector.broadcast %broadcast_in_dim3A_15 : f32 to vector<16xf32>
    %scan3A = arith.constant 0 : i32
    %scan3A_17 = arith.constant 0 : i32
    %scan3A_18 = arith.constant 128 : i32
    %scan3A_19 = arith.addi %scan3A_17, %scan3A_18 : i32
    %scan3A_20 = arith.constant 1 : i32
    %scan3A_21 = scf.for %scan3A_44 = %scan3A_17 to %scan3A_19 step %scan3A_20 iter_args(%scan3A_45 = %scan3A) -> (i32)  : i32 {
      %mul3A_46 = arith.constant 16 : i32
      %mul3A_47 = arith.muli %scan3A_44, %mul3A_46 : i32
      %swap3A = arith.index_cast %mul3A_47 : i32 to index
      %swap3A_48 = tpu.vector_load %arg16[%swap3A] {strides = array<i32>} : memref<2048xf32, #tpu.memory_space<vmem>>, vector<16xf32>,
      tpu.vector_store %arg16[%swap3A], %broadcast_in_dim3A_16 {strides = array<i32>} : memref<2048xf32, #tpu.memory_space<vmem>>, vector<16xf32>,
      %scan3A_49 = arith.constant 0 : i32
      scf.yield %scan3A_49 : i32
    }
    %scan3A_22 = arith.constant 128 : i32
    %dma_wait3A = tpu.memref_slice %arg4[%mul3A_2] : memref<1000000xi32, #tpu.memory_space<hbm>> -> memref<31232xi32, #tpu.memory_space<hbm>>
    %dma_wait3A_23 = tpu.memref_slice %arg4[%mul3A_2] : memref<1000000xi32, #tpu.memory_space<hbm>> -> memref<31232xi32, #tpu.memory_space<hbm>>
    tpu.wait_dma2 semaphore(%arg17 : memref<!tpu.dma_semaphore, #tpu.memory_space<semaphore_mem>>) src(%dma_wait3A_23 : memref<31232xi32, #tpu.memory_space<hbm>>) dst(%arg7 : memref<31232xi32, #tpu.memory_space<vmem>>)
    %dma_wait3A_24 = tpu.memref_slice %arg2[%mul3A_2] : memref<1000000xf32, #tpu.memory_space<hbm>> -> memref<31232xf32, #tpu.memory_space<hbm>>
    %dma_wait3A_25 = tpu.memref_slice %arg2[%mul3A_2] : memref<1000000xf32, #tpu.memory_space<hbm>> -> memref<31232xf32, #tpu.memory_space<hbm>>
    tpu.wait_dma2 semaphore(%arg18 : memref<!tpu.dma_semaphore, #tpu.memory_space<semaphore_mem>>) src(%dma_wait3A_25 : memref<31232xf32, #tpu.memory_space<hbm>>) dst(%arg8 : memref<31232xf32, #tpu.memory_space<vmem>>)
    %dma_wait3A_26 = tpu.memref_slice %arg3[%mul3A_2] : memref<1000000xf32, #tpu.memory_space<hbm>> -> memref<31232xf32, #tpu.memory_space<hbm>>
    %dma_wait3A_27 = tpu.memref_slice %arg3[%mul3A_2] : memref<1000000xf32, #tpu.memory_space<hbm>> -> memref<31232xf32, #tpu.memory_space<hbm>>
    tpu.wait_dma2 semaphore(%arg19 : memref<!tpu.dma_semaphore, #tpu.memory_space<semaphore_mem>>) src(%dma_wait3A_27 : memref<31232xf32, #tpu.memory_space<hbm>>) dst(%arg9 : memref<31232xf32, #tpu.memory_space<vmem>>)
    %broadcast_in_dim3A_28 = arith.constant 1 : i32
    %broadcast_in_dim3A_29 = vector.broadcast %broadcast_in_dim3A_28 : i32 to vector<16xi32>
    %broadcast_in_dim3A_30 = arith.constant true
    %broadcast_in_dim3A_31 = vector.broadcast %broadcast_in_dim3A_30 : i1 to vector<16xi1>
    %scan3A_32 = arith.constant 0 : i32
    %scan3A_33 = arith.constant 0 : i32
    %scan3A_34 = arith.constant 488 : i32
    %scan3A_35 = arith.addi %scan3A_33, %scan3A_34 : i32
    %scan3A_36 = arith.constant 1 : i32
    %scan3A_37 = scf.for %scan3A_44 = %scan3A_33 to %scan3A_35 step %scan3A_36 iter_args(%scan3A_45 = %scan3A_32) -> (i32)  : i32 {
      %mul3A_46 = arith.constant 16 : i32
      %mul3A_47 = arith.muli %scan3A_44, %mul3A_46 : i32
      %parallel_loop3A_48 = arith.constant 0 : i32
      %parallel_loop3A_49 = arith.constant 4 : i32
      %parallel_loop3A_50 = arith.constant 1 : i32
      scf.for %parallel_loop3A_52 = %parallel_loop3A_48 to %parallel_loop3A_49 step %parallel_loop3A_50  : i32 {
        %parallel_loop3A_53 = arith.constant 7808 : i32
        %parallel_loop3A_54 = arith.muli %parallel_loop3A_52, %parallel_loop3A_53 : i32
        %parallel_loop3A_55 = arith.addi %parallel_loop3A_54, %mul3A_47 : i32
        %parallel_loop3A_56 = arith.index_cast %parallel_loop3A_55 : i32 to index
        %parallel_loop3A_57 = tpu.vector_load %arg7[%parallel_loop3A_56] {strides = array<i32>} : memref<31232xi32, #tpu.memory_space<vmem>>, vector<16xi32>,
        %parallel_loop3A_58 = arith.index_cast %parallel_loop3A_55 : i32 to index
        %parallel_loop3A_59 = tpu.vector_load %arg8[%parallel_loop3A_58] {strides = array<i32>} : memref<31232xf32, #tpu.memory_space<vmem>>, vector<16xf32>,
        %parallel_loop3A_60 = arith.index_cast %parallel_loop3A_55 : i32 to index
        %parallel_loop3A_61 = tpu.vector_load %arg9[%parallel_loop3A_60] {strides = array<i32>} : memref<31232xf32, #tpu.memory_space<vmem>>, vector<16xf32>,
        %parallel_loop3A_62 = arith.constant 112 : i32
        %parallel_loop3A_63 = arith.muli %parallel_loop3A_52, %parallel_loop3A_62 : i32
        %parallel_loop3A_64 = vector.broadcast %parallel_loop3A_63 : i32 to vector<16xi32>
        %parallel_loop3A_65 = arith.addi %parallel_loop3A_57, %parallel_loop3A_64 : vector<16xi32>
        %parallel_loop3A_66 = tpu.vector_load_idx %arg14[%parallel_loop3A_65] : memref<448xi32, #tpu.memory_space<vmem>>[vector<16xi32>], vector<16xi32>,
        %parallel_loop3A_67, %parallel_loop3A_68 = tpu.scan_count mask(%broadcast_in_dim3A_31 : vector<16xi1>) value(%parallel_loop3A_57 : vector<16xi32>) : vector<16xi1>, vector<16xi32>
        %parallel_loop3A_69 = arith.addi %parallel_loop3A_66, %parallel_loop3A_68 : vector<16xi32>
        %parallel_loop3A_70 = arith.constant 1 : i32
        %parallel_loop3A_71 = vector.broadcast %parallel_loop3A_70 : i32 to vector<16xi32>
        %parallel_loop3A_72 = arith.subi %parallel_loop3A_69, %parallel_loop3A_71 : vector<16xi32>
        tpu.vector_store_idx %arg14[%parallel_loop3A_65], %broadcast_in_dim3A_29 {add = true} : memref<448xi32, #tpu.memory_space<vmem>>[vector<16xi32>], vector<16xi32>,
        %parallel_loop3A_73 = tpu.vector_load_idx %arg15[%parallel_loop3A_57] : memref<112xf32, #tpu.memory_space<vmem>>[vector<16xi32>], vector<16xf32>,
        %parallel_loop3A_74 = arith.sitofp %parallel_loop3A_72 : vector<16xi32> to vector<16xf32>
        %parallel_loop3A_75 = arith.mulf %parallel_loop3A_74, %parallel_loop3A_73 : vector<16xf32>
        %parallel_loop3A_76 = arith.fptosi %parallel_loop3A_75 : vector<16xf32> to vector<16xi32>
        %parallel_loop3A_77 = arith.constant 0 : i32
        %parallel_loop3A_78 = arith.constant 15 : i32
        %parallel_loop3A_79 = vector.broadcast %parallel_loop3A_77 : i32 to vector<16xi32>
        %parallel_loop3A_80 = arith.maxsi %parallel_loop3A_79, %parallel_loop3A_76 : vector<16xi32>
        %parallel_loop3A_81 = vector.broadcast %parallel_loop3A_78 : i32 to vector<16xi32>
        %parallel_loop3A_82 = arith.minsi %parallel_loop3A_81, %parallel_loop3A_80 : vector<16xi32>
        %parallel_loop3A_83 = arith.constant 128 : i32
        %parallel_loop3A_84 = vector.broadcast %parallel_loop3A_83 : i32 to vector<16xi32>
        %parallel_loop3A_85 = arith.muli %parallel_loop3A_82, %parallel_loop3A_84 : vector<16xi32>
        %parallel_loop3A_86 = arith.addi %parallel_loop3A_85, %parallel_loop3A_57 : vector<16xi32>
        %parallel_loop3A_87 = arith.subf %parallel_loop3A_59, %parallel_loop3A_61 : vector<16xf32>
        tpu.vector_store_idx %arg16[%parallel_loop3A_86], %parallel_loop3A_87 {add = true} : memref<2048xf32, #tpu.memory_space<vmem>>[vector<16xi32>], vector<16xf32>,
      } {sc.loop_unroll_factor = 4 : i64, sc.parallel_access}
      %scan3A_51 = arith.constant 0 : i32
      scf.yield %scan3A_51 : i32
    }
    %scan3A_38 = arith.constant 488 : i32
    %eq3A_39 = arith.constant 31 : i32
    %eq3A_40 = arith.cmpi eq, %add3A, %eq3A_39 : i32
    %convert_element_type3A_41 = arith.extui %eq3A_40 : i1 to i32
    %cond3A_42 = arith.constant 0 : i32
    %cond3A_43 = arith.cmpi ne, %convert_element_type3A_41, %cond3A_42 : i32
    scf.if %cond3A_43 {
      %scan3A_44 = arith.constant 0 : i32
      %scan3A_45 = arith.constant 0 : i32
      %scan3A_46 = arith.constant 36 : i32
      %scan3A_47 = arith.addi %scan3A_45, %scan3A_46 : i32
      %scan3A_48 = arith.constant 1 : i32
      %scan3A_49 = scf.for %scan3A_51 = %scan3A_45 to %scan3A_47 step %scan3A_48 iter_args(%scan3A_52 = %scan3A_44) -> (i32)  : i32 {
        %mul3A_53 = arith.constant 16 : i32
        %mul3A_54 = arith.muli %scan3A_51, %mul3A_53 : i32
        %get3A = arith.index_cast %mul3A_54 : i32 to index
        %get3A_55 = tpu.vector_load %arg10[%get3A] {strides = array<i32>} : memref<576xi32, #tpu.memory_space<vmem>>, vector<16xi32>,
        %get3A_56 = arith.index_cast %mul3A_54 : i32 to index
        %get3A_57 = tpu.vector_load %arg11[%get3A_56] {strides = array<i32>} : memref<576xf32, #tpu.memory_space<vmem>>, vector<16xf32>,
        %get3A_58 = arith.index_cast %mul3A_54 : i32 to index
        %get3A_59 = tpu.vector_load %arg12[%get3A_58] {strides = array<i32>} : memref<576xf32, #tpu.memory_space<vmem>>, vector<16xf32>,
        %add3A_60 = arith.constant 336 : i32
        %add3A_61 = vector.broadcast %add3A_60 : i32 to vector<16xi32>
        %add3A_62 = arith.addi %get3A_55, %add3A_61 : vector<16xi32>
        %gather3A = tpu.vector_load_idx %arg14[%add3A_62] : memref<448xi32, #tpu.memory_space<vmem>>[vector<16xi32>], vector<16xi32>,
        %unique3A, %unique3A_63 = tpu.scan_count mask(%broadcast_in_dim3A_31 : vector<16xi1>) value(%get3A_55 : vector<16xi32>) : vector<16xi1>, vector<16xi32>
        %add3A_64 = arith.addi %gather3A, %unique3A_63 : vector<16xi32>
        %sub3A = arith.constant 1 : i32
        %sub3A_65 = vector.broadcast %sub3A : i32 to vector<16xi32>
        %sub3A_66 = arith.subi %add3A_64, %sub3A_65 : vector<16xi32>
        tpu.vector_store_idx %arg14[%add3A_62], %broadcast_in_dim3A_29 {add = true} : memref<448xi32, #tpu.memory_space<vmem>>[vector<16xi32>], vector<16xi32>,
        %gather3A_67 = tpu.vector_load_idx %arg15[%get3A_55] : memref<112xf32, #tpu.memory_space<vmem>>[vector<16xi32>], vector<16xf32>,
        %convert_element_type3A_68 = arith.sitofp %sub3A_66 : vector<16xi32> to vector<16xf32>
        %mul3A_69 = arith.mulf %convert_element_type3A_68, %gather3A_67 : vector<16xf32>
        %convert_element_type3A_70 = arith.fptosi %mul3A_69 : vector<16xf32> to vector<16xi32>
        %jit3A = arith.constant 0 : i32
        %jit3A_71 = arith.constant 15 : i32
        %max3A = vector.broadcast %jit3A : i32 to vector<16xi32>
        %max3A_72 = arith.maxsi %max3A, %convert_element_type3A_70 : vector<16xi32>
        %min3A = vector.broadcast %jit3A_71 : i32 to vector<16xi32>
        %min3A_73 = arith.minsi %min3A, %max3A_72 : vector<16xi32>
        %mul3A_74 = arith.constant 128 : i32
        %mul3A_75 = vector.broadcast %mul3A_74 : i32 to vector<16xi32>
        %mul3A_76 = arith.muli %min3A_73, %mul3A_75 : vector<16xi32>
        %add3A_77 = arith.addi %mul3A_76, %get3A_55 : vector<16xi32>
        %sub3A_78 = arith.subf %get3A_57, %get3A_59 : vector<16xf32>
        tpu.vector_store_idx %arg16[%add3A_77], %sub3A_78 {add = true} : memref<2048xf32, #tpu.memory_space<vmem>>[vector<16xi32>], vector<16xf32>,
        %scan3A_79 = arith.constant 0 : i32
        scf.yield %scan3A_79 : i32
      }
      %scan3A_50 = arith.constant 36 : i32
    } else {
    }
    "tpu.region"() ({
      %run_scoped3A = tpu.sem_alloc : memref<!tpu.dma_semaphore, #tpu.memory_space<semaphore_mem>>
      %dma_start3A_44 = arith.constant 0 : i32
      %dma_start3A_45 = tpu.memref_slice %arg6[%add3A, %dma_start3A_44] : memref<32x2048xf32, #tpu.memory_space<hbm>> -> memref<1x2048xf32, #tpu.memory_space<hbm>>
      %dma_start3A_46 = tpu.memref_squeeze %dma_start3A_45 : memref<1x2048xf32, #tpu.memory_space<hbm>> -> memref<2048xf32, #tpu.memory_space<hbm>>
      %dma_start3A_47 = arith.constant 0 : i32
      %dma_start3A_48 = tpu.memref_slice %arg6[%add3A, %dma_start3A_47] : memref<32x2048xf32, #tpu.memory_space<hbm>> -> memref<1x2048xf32, #tpu.memory_space<hbm>>
      %dma_start3A_49 = tpu.memref_squeeze %dma_start3A_48 : memref<1x2048xf32, #tpu.memory_space<hbm>> -> memref<2048xf32, #tpu.memory_space<hbm>>
      tpu.enqueue_dma source(%arg16 : memref<2048xf32, #tpu.memory_space<vmem>>) target(%dma_start3A_49 : memref<2048xf32, #tpu.memory_space<hbm>>) target_semaphore(%run_scoped3A : memref<!tpu.dma_semaphore, #tpu.memory_space<semaphore_mem>>)
      %dma_wait3A_50 = arith.constant 0 : i32
      %dma_wait3A_51 = tpu.memref_slice %arg6[%add3A, %dma_wait3A_50] : memref<32x2048xf32, #tpu.memory_space<hbm>> -> memref<1x2048xf32, #tpu.memory_space<hbm>>
      %dma_wait3A_52 = tpu.memref_squeeze %dma_wait3A_51 : memref<1x2048xf32, #tpu.memory_space<hbm>> -> memref<2048xf32, #tpu.memory_space<hbm>>
      %dma_wait3A_53 = arith.constant 0 : i32
      %dma_wait3A_54 = tpu.memref_slice %arg6[%add3A, %dma_wait3A_53] : memref<32x2048xf32, #tpu.memory_space<hbm>> -> memref<1x2048xf32, #tpu.memory_space<hbm>>
      %dma_wait3A_55 = tpu.memref_squeeze %dma_wait3A_54 : memref<1x2048xf32, #tpu.memory_space<hbm>> -> memref<2048xf32, #tpu.memory_space<hbm>>
      tpu.wait_dma2 semaphore(%run_scoped3A : memref<!tpu.dma_semaphore, #tpu.memory_space<semaphore_mem>>) src(%arg16 : memref<2048xf32, #tpu.memory_space<vmem>>) dst(%dma_wait3A_55 : memref<2048xf32, #tpu.memory_space<hbm>>)
      tpu.yield
    }) : () -> ()
    return
  }
}

module attributes {stable_mosaic.version = 14 : i64} {
  func.func @_final_body(%arg0: memref<32x16x128xf32, #tpu.memory_space<vmem>>, %arg1: memref<128x1x112xi32, #tpu.memory_space<vmem>>, %arg2: memref<1x1xf32, #tpu.memory_space<vmem>>) attributes {dimension_semantics = [], scalar_prefetch = 0 : i64, scratch_operands = 0 : i64, tpu.core_type = #tpu.core_type<tc>} {
    %get3A = arith.constant 0 : index
    %get3A_0 = arith.constant 0 : index
    %get3A_1 = arith.constant 0 : index
    %get3A_2 = vector.load %arg0[%get3A, %get3A_0, %get3A_1] : memref<32x16x128xf32, #tpu.memory_space<vmem>>, vector<1x16x128xf32>
    %get3A_3 = vector.shape_cast %get3A_2 : vector<1x16x128xf32> to vector<16x128xf32>
    %get3A_4 = arith.constant 0 : index
    %get3A_5 = arith.constant 0 : index
    %get3A_6 = arith.constant 0 : index
    %get3A_7 = vector.load %arg1[%get3A_4, %get3A_5, %get3A_6] : memref<128x1x112xi32, #tpu.memory_space<vmem>>, vector<1x1x112xi32>
    %get3A_8 = vector.shape_cast %get3A_7 : vector<1x1x112xi32> to vector<1x112xi32>
    %get3A_9 = arith.constant 1 : index
    %get3A_10 = arith.constant 0 : index
    %get3A_11 = arith.constant 0 : index
    %get3A_12 = vector.load %arg0[%get3A_9, %get3A_10, %get3A_11] : memref<32x16x128xf32, #tpu.memory_space<vmem>>, vector<1x16x128xf32>
    %get3A_13 = vector.shape_cast %get3A_12 : vector<1x16x128xf32> to vector<16x128xf32>
    %add3A = arith.addf %get3A_3, %get3A_13 : vector<16x128xf32>
    %get3A_14 = arith.constant 2 : index
    %get3A_15 = arith.constant 0 : index
    %get3A_16 = arith.constant 0 : index
    %get3A_17 = vector.load %arg0[%get3A_14, %get3A_15, %get3A_16] : memref<32x16x128xf32, #tpu.memory_space<vmem>>, vector<1x16x128xf32>
    %get3A_18 = vector.shape_cast %get3A_17 : vector<1x16x128xf32> to vector<16x128xf32>
    %add3A_19 = arith.addf %add3A, %get3A_18 : vector<16x128xf32>
    %get3A_20 = arith.constant 3 : index
    %get3A_21 = arith.constant 0 : index
    %get3A_22 = arith.constant 0 : index
    %get3A_23 = vector.load %arg0[%get3A_20, %get3A_21, %get3A_22] : memref<32x16x128xf32, #tpu.memory_space<vmem>>, vector<1x16x128xf32>
    %get3A_24 = vector.shape_cast %get3A_23 : vector<1x16x128xf32> to vector<16x128xf32>
    %add3A_25 = arith.addf %add3A_19, %get3A_24 : vector<16x128xf32>
    %get3A_26 = arith.constant 4 : index
    %get3A_27 = arith.constant 0 : index
    %get3A_28 = arith.constant 0 : index
    %get3A_29 = vector.load %arg0[%get3A_26, %get3A_27, %get3A_28] : memref<32x16x128xf32, #tpu.memory_space<vmem>>, vector<1x16x128xf32>
    %get3A_30 = vector.shape_cast %get3A_29 : vector<1x16x128xf32> to vector<16x128xf32>
    %add3A_31 = arith.addf %add3A_25, %get3A_30 : vector<16x128xf32>
    %get3A_32 = arith.constant 5 : index
    %get3A_33 = arith.constant 0 : index
    %get3A_34 = arith.constant 0 : index
    %get3A_35 = vector.load %arg0[%get3A_32, %get3A_33, %get3A_34] : memref<32x16x128xf32, #tpu.memory_space<vmem>>, vector<1x16x128xf32>
    %get3A_36 = vector.shape_cast %get3A_35 : vector<1x16x128xf32> to vector<16x128xf32>
    %add3A_37 = arith.addf %add3A_31, %get3A_36 : vector<16x128xf32>
    %get3A_38 = arith.constant 6 : index
    %get3A_39 = arith.constant 0 : index
    %get3A_40 = arith.constant 0 : index
    %get3A_41 = vector.load %arg0[%get3A_38, %get3A_39, %get3A_40] : memref<32x16x128xf32, #tpu.memory_space<vmem>>, vector<1x16x128xf32>
    %get3A_42 = vector.shape_cast %get3A_41 : vector<1x16x128xf32> to vector<16x128xf32>
    %add3A_43 = arith.addf %add3A_37, %get3A_42 : vector<16x128xf32>
    %get3A_44 = arith.constant 7 : index
    %get3A_45 = arith.constant 0 : index
    %get3A_46 = arith.constant 0 : index
    %get3A_47 = vector.load %arg0[%get3A_44, %get3A_45, %get3A_46] : memref<32x16x128xf32, #tpu.memory_space<vmem>>, vector<1x16x128xf32>
    %get3A_48 = vector.shape_cast %get3A_47 : vector<1x16x128xf32> to vector<16x128xf32>
    %add3A_49 = arith.addf %add3A_43, %get3A_48 : vector<16x128xf32>
    %get3A_50 = arith.constant 8 : index
    %get3A_51 = arith.constant 0 : index
    %get3A_52 = arith.constant 0 : index
    %get3A_53 = vector.load %arg0[%get3A_50, %get3A_51, %get3A_52] : memref<32x16x128xf32, #tpu.memory_space<vmem>>, vector<1x16x128xf32>
    %get3A_54 = vector.shape_cast %get3A_53 : vector<1x16x128xf32> to vector<16x128xf32>
    %add3A_55 = arith.addf %add3A_49, %get3A_54 : vector<16x128xf32>
    %get3A_56 = arith.constant 9 : index
    %get3A_57 = arith.constant 0 : index
    %get3A_58 = arith.constant 0 : index
    %get3A_59 = vector.load %arg0[%get3A_56, %get3A_57, %get3A_58] : memref<32x16x128xf32, #tpu.memory_space<vmem>>, vector<1x16x128xf32>
    %get3A_60 = vector.shape_cast %get3A_59 : vector<1x16x128xf32> to vector<16x128xf32>
    %add3A_61 = arith.addf %add3A_55, %get3A_60 : vector<16x128xf32>
    %get3A_62 = arith.constant 10 : index
    %get3A_63 = arith.constant 0 : index
    %get3A_64 = arith.constant 0 : index
    %get3A_65 = vector.load %arg0[%get3A_62, %get3A_63, %get3A_64] : memref<32x16x128xf32, #tpu.memory_space<vmem>>, vector<1x16x128xf32>
    %get3A_66 = vector.shape_cast %get3A_65 : vector<1x16x128xf32> to vector<16x128xf32>
    %add3A_67 = arith.addf %add3A_61, %get3A_66 : vector<16x128xf32>
    %get3A_68 = arith.constant 11 : index
    %get3A_69 = arith.constant 0 : index
    %get3A_70 = arith.constant 0 : index
    %get3A_71 = vector.load %arg0[%get3A_68, %get3A_69, %get3A_70] : memref<32x16x128xf32, #tpu.memory_space<vmem>>, vector<1x16x128xf32>
    %get3A_72 = vector.shape_cast %get3A_71 : vector<1x16x128xf32> to vector<16x128xf32>
    %add3A_73 = arith.addf %add3A_67, %get3A_72 : vector<16x128xf32>
    %get3A_74 = arith.constant 12 : index
    %get3A_75 = arith.constant 0 : index
    %get3A_76 = arith.constant 0 : index
    %get3A_77 = vector.load %arg0[%get3A_74, %get3A_75, %get3A_76] : memref<32x16x128xf32, #tpu.memory_space<vmem>>, vector<1x16x128xf32>
    %get3A_78 = vector.shape_cast %get3A_77 : vector<1x16x128xf32> to vector<16x128xf32>
    %add3A_79 = arith.addf %add3A_73, %get3A_78 : vector<16x128xf32>
    %get3A_80 = arith.constant 13 : index
    %get3A_81 = arith.constant 0 : index
    %get3A_82 = arith.constant 0 : index
    %get3A_83 = vector.load %arg0[%get3A_80, %get3A_81, %get3A_82] : memref<32x16x128xf32, #tpu.memory_space<vmem>>, vector<1x16x128xf32>
    %get3A_84 = vector.shape_cast %get3A_83 : vector<1x16x128xf32> to vector<16x128xf32>
    %add3A_85 = arith.addf %add3A_79, %get3A_84 : vector<16x128xf32>
    %get3A_86 = arith.constant 14 : index
    %get3A_87 = arith.constant 0 : index
    %get3A_88 = arith.constant 0 : index
    %get3A_89 = vector.load %arg0[%get3A_86, %get3A_87, %get3A_88] : memref<32x16x128xf32, #tpu.memory_space<vmem>>, vector<1x16x128xf32>
    %get3A_90 = vector.shape_cast %get3A_89 : vector<1x16x128xf32> to vector<16x128xf32>
    %add3A_91 = arith.addf %add3A_85, %get3A_90 : vector<16x128xf32>
    %get3A_92 = arith.constant 15 : index
    %get3A_93 = arith.constant 0 : index
    %get3A_94 = arith.constant 0 : index
    %get3A_95 = vector.load %arg0[%get3A_92, %get3A_93, %get3A_94] : memref<32x16x128xf32, #tpu.memory_space<vmem>>, vector<1x16x128xf32>
    %get3A_96 = vector.shape_cast %get3A_95 : vector<1x16x128xf32> to vector<16x128xf32>
    %add3A_97 = arith.addf %add3A_91, %get3A_96 : vector<16x128xf32>
    %get3A_98 = arith.constant 16 : index
    %get3A_99 = arith.constant 0 : index
    %get3A_100 = arith.constant 0 : index
    %get3A_101 = vector.load %arg0[%get3A_98, %get3A_99, %get3A_100] : memref<32x16x128xf32, #tpu.memory_space<vmem>>, vector<1x16x128xf32>
    %get3A_102 = vector.shape_cast %get3A_101 : vector<1x16x128xf32> to vector<16x128xf32>
    %add3A_103 = arith.addf %add3A_97, %get3A_102 : vector<16x128xf32>
    %get3A_104 = arith.constant 17 : index
    %get3A_105 = arith.constant 0 : index
    %get3A_106 = arith.constant 0 : index
    %get3A_107 = vector.load %arg0[%get3A_104, %get3A_105, %get3A_106] : memref<32x16x128xf32, #tpu.memory_space<vmem>>, vector<1x16x128xf32>
    %get3A_108 = vector.shape_cast %get3A_107 : vector<1x16x128xf32> to vector<16x128xf32>
    %add3A_109 = arith.addf %add3A_103, %get3A_108 : vector<16x128xf32>
    %get3A_110 = arith.constant 18 : index
    %get3A_111 = arith.constant 0 : index
    %get3A_112 = arith.constant 0 : index
    %get3A_113 = vector.load %arg0[%get3A_110, %get3A_111, %get3A_112] : memref<32x16x128xf32, #tpu.memory_space<vmem>>, vector<1x16x128xf32>
    %get3A_114 = vector.shape_cast %get3A_113 : vector<1x16x128xf32> to vector<16x128xf32>
    %add3A_115 = arith.addf %add3A_109, %get3A_114 : vector<16x128xf32>
    %get3A_116 = arith.constant 19 : index
    %get3A_117 = arith.constant 0 : index
    %get3A_118 = arith.constant 0 : index
    %get3A_119 = vector.load %arg0[%get3A_116, %get3A_117, %get3A_118] : memref<32x16x128xf32, #tpu.memory_space<vmem>>, vector<1x16x128xf32>
    %get3A_120 = vector.shape_cast %get3A_119 : vector<1x16x128xf32> to vector<16x128xf32>
    %add3A_121 = arith.addf %add3A_115, %get3A_120 : vector<16x128xf32>
    %get3A_122 = arith.constant 20 : index
    %get3A_123 = arith.constant 0 : index
    %get3A_124 = arith.constant 0 : index
    %get3A_125 = vector.load %arg0[%get3A_122, %get3A_123, %get3A_124] : memref<32x16x128xf32, #tpu.memory_space<vmem>>, vector<1x16x128xf32>
    %get3A_126 = vector.shape_cast %get3A_125 : vector<1x16x128xf32> to vector<16x128xf32>
    %add3A_127 = arith.addf %add3A_121, %get3A_126 : vector<16x128xf32>
    %get3A_128 = arith.constant 21 : index
    %get3A_129 = arith.constant 0 : index
    %get3A_130 = arith.constant 0 : index
    %get3A_131 = vector.load %arg0[%get3A_128, %get3A_129, %get3A_130] : memref<32x16x128xf32, #tpu.memory_space<vmem>>, vector<1x16x128xf32>
    %get3A_132 = vector.shape_cast %get3A_131 : vector<1x16x128xf32> to vector<16x128xf32>
    %add3A_133 = arith.addf %add3A_127, %get3A_132 : vector<16x128xf32>
    %get3A_134 = arith.constant 22 : index
    %get3A_135 = arith.constant 0 : index
    %get3A_136 = arith.constant 0 : index
    %get3A_137 = vector.load %arg0[%get3A_134, %get3A_135, %get3A_136] : memref<32x16x128xf32, #tpu.memory_space<vmem>>, vector<1x16x128xf32>
    %get3A_138 = vector.shape_cast %get3A_137 : vector<1x16x128xf32> to vector<16x128xf32>
    %add3A_139 = arith.addf %add3A_133, %get3A_138 : vector<16x128xf32>
    %get3A_140 = arith.constant 23 : index
    %get3A_141 = arith.constant 0 : index
    %get3A_142 = arith.constant 0 : index
    %get3A_143 = vector.load %arg0[%get3A_140, %get3A_141, %get3A_142] : memref<32x16x128xf32, #tpu.memory_space<vmem>>, vector<1x16x128xf32>
    %get3A_144 = vector.shape_cast %get3A_143 : vector<1x16x128xf32> to vector<16x128xf32>
    %add3A_145 = arith.addf %add3A_139, %get3A_144 : vector<16x128xf32>
    %get3A_146 = arith.constant 24 : index
    %get3A_147 = arith.constant 0 : index
    %get3A_148 = arith.constant 0 : index
    %get3A_149 = vector.load %arg0[%get3A_146, %get3A_147, %get3A_148] : memref<32x16x128xf32, #tpu.memory_space<vmem>>, vector<1x16x128xf32>
    %get3A_150 = vector.shape_cast %get3A_149 : vector<1x16x128xf32> to vector<16x128xf32>
    %add3A_151 = arith.addf %add3A_145, %get3A_150 : vector<16x128xf32>
    %get3A_152 = arith.constant 25 : index
    %get3A_153 = arith.constant 0 : index
    %get3A_154 = arith.constant 0 : index
    %get3A_155 = vector.load %arg0[%get3A_152, %get3A_153, %get3A_154] : memref<32x16x128xf32, #tpu.memory_space<vmem>>, vector<1x16x128xf32>
    %get3A_156 = vector.shape_cast %get3A_155 : vector<1x16x128xf32> to vector<16x128xf32>
    %add3A_157 = arith.addf %add3A_151, %get3A_156 : vector<16x128xf32>
    %get3A_158 = arith.constant 26 : index
    %get3A_159 = arith.constant 0 : index
    %get3A_160 = arith.constant 0 : index
    %get3A_161 = vector.load %arg0[%get3A_158, %get3A_159, %get3A_160] : memref<32x16x128xf32, #tpu.memory_space<vmem>>, vector<1x16x128xf32>
    %get3A_162 = vector.shape_cast %get3A_161 : vector<1x16x128xf32> to vector<16x128xf32>
    %add3A_163 = arith.addf %add3A_157, %get3A_162 : vector<16x128xf32>
    %get3A_164 = arith.constant 27 : index
    %get3A_165 = arith.constant 0 : index
    %get3A_166 = arith.constant 0 : index
    %get3A_167 = vector.load %arg0[%get3A_164, %get3A_165, %get3A_166] : memref<32x16x128xf32, #tpu.memory_space<vmem>>, vector<1x16x128xf32>
    %get3A_168 = vector.shape_cast %get3A_167 : vector<1x16x128xf32> to vector<16x128xf32>
    %add3A_169 = arith.addf %add3A_163, %get3A_168 : vector<16x128xf32>
    %get3A_170 = arith.constant 28 : index
    %get3A_171 = arith.constant 0 : index
    %get3A_172 = arith.constant 0 : index
    %get3A_173 = vector.load %arg0[%get3A_170, %get3A_171, %get3A_172] : memref<32x16x128xf32, #tpu.memory_space<vmem>>, vector<1x16x128xf32>
    %get3A_174 = vector.shape_cast %get3A_173 : vector<1x16x128xf32> to vector<16x128xf32>
    %add3A_175 = arith.addf %add3A_169, %get3A_174 : vector<16x128xf32>
    %get3A_176 = arith.constant 29 : index
    %get3A_177 = arith.constant 0 : index
    %get3A_178 = arith.constant 0 : index
    %get3A_179 = vector.load %arg0[%get3A_176, %get3A_177, %get3A_178] : memref<32x16x128xf32, #tpu.memory_space<vmem>>, vector<1x16x128xf32>
    %get3A_180 = vector.shape_cast %get3A_179 : vector<1x16x128xf32> to vector<16x128xf32>
    %add3A_181 = arith.addf %add3A_175, %get3A_180 : vector<16x128xf32>
    %get3A_182 = arith.constant 30 : index
    %get3A_183 = arith.constant 0 : index
    %get3A_184 = arith.constant 0 : index
    %get3A_185 = vector.load %arg0[%get3A_182, %get3A_183, %get3A_184] : memref<32x16x128xf32, #tpu.memory_space<vmem>>, vector<1x16x128xf32>
    %get3A_186 = vector.shape_cast %get3A_185 : vector<1x16x128xf32> to vector<16x128xf32>
    %add3A_187 = arith.addf %add3A_181, %get3A_186 : vector<16x128xf32>
    %get3A_188 = arith.constant 31 : index
    %get3A_189 = arith.constant 0 : index
    %get3A_190 = arith.constant 0 : index
    %get3A_191 = vector.load %arg0[%get3A_188, %get3A_189, %get3A_190] : memref<32x16x128xf32, #tpu.memory_space<vmem>>, vector<1x16x128xf32>
    %get3A_192 = vector.shape_cast %get3A_191 : vector<1x16x128xf32> to vector<16x128xf32>
    %add3A_193 = arith.addf %add3A_187, %get3A_192 : vector<16x128xf32>
    %get3A_194 = arith.constant 1 : index
    %get3A_195 = arith.constant 0 : index
    %get3A_196 = arith.constant 0 : index
    %get3A_197 = vector.load %arg1[%get3A_194, %get3A_195, %get3A_196] : memref<128x1x112xi32, #tpu.memory_space<vmem>>, vector<1x1x112xi32>
    %get3A_198 = vector.shape_cast %get3A_197 : vector<1x1x112xi32> to vector<1x112xi32>
    %add3A_199 = arith.addi %get3A_8, %get3A_198 : vector<1x112xi32>
    %get3A_200 = arith.constant 2 : index
    %get3A_201 = arith.constant 0 : index
    %get3A_202 = arith.constant 0 : index
    %get3A_203 = vector.load %arg1[%get3A_200, %get3A_201, %get3A_202] : memref<128x1x112xi32, #tpu.memory_space<vmem>>, vector<1x1x112xi32>
    %get3A_204 = vector.shape_cast %get3A_203 : vector<1x1x112xi32> to vector<1x112xi32>
    %add3A_205 = arith.addi %add3A_199, %get3A_204 : vector<1x112xi32>
    %get3A_206 = arith.constant 3 : index
    %get3A_207 = arith.constant 0 : index
    %get3A_208 = arith.constant 0 : index
    %get3A_209 = vector.load %arg1[%get3A_206, %get3A_207, %get3A_208] : memref<128x1x112xi32, #tpu.memory_space<vmem>>, vector<1x1x112xi32>
    %get3A_210 = vector.shape_cast %get3A_209 : vector<1x1x112xi32> to vector<1x112xi32>
    %add3A_211 = arith.addi %add3A_205, %get3A_210 : vector<1x112xi32>
    %get3A_212 = arith.constant 4 : index
    %get3A_213 = arith.constant 0 : index
    %get3A_214 = arith.constant 0 : index
    %get3A_215 = vector.load %arg1[%get3A_212, %get3A_213, %get3A_214] : memref<128x1x112xi32, #tpu.memory_space<vmem>>, vector<1x1x112xi32>
    %get3A_216 = vector.shape_cast %get3A_215 : vector<1x1x112xi32> to vector<1x112xi32>
    %add3A_217 = arith.addi %add3A_211, %get3A_216 : vector<1x112xi32>
    %get3A_218 = arith.constant 5 : index
    %get3A_219 = arith.constant 0 : index
    %get3A_220 = arith.constant 0 : index
    %get3A_221 = vector.load %arg1[%get3A_218, %get3A_219, %get3A_220] : memref<128x1x112xi32, #tpu.memory_space<vmem>>, vector<1x1x112xi32>
    %get3A_222 = vector.shape_cast %get3A_221 : vector<1x1x112xi32> to vector<1x112xi32>
    %add3A_223 = arith.addi %add3A_217, %get3A_222 : vector<1x112xi32>
    %get3A_224 = arith.constant 6 : index
    %get3A_225 = arith.constant 0 : index
    %get3A_226 = arith.constant 0 : index
    %get3A_227 = vector.load %arg1[%get3A_224, %get3A_225, %get3A_226] : memref<128x1x112xi32, #tpu.memory_space<vmem>>, vector<1x1x112xi32>
    %get3A_228 = vector.shape_cast %get3A_227 : vector<1x1x112xi32> to vector<1x112xi32>
    %add3A_229 = arith.addi %add3A_223, %get3A_228 : vector<1x112xi32>
    %get3A_230 = arith.constant 7 : index
    %get3A_231 = arith.constant 0 : index
    %get3A_232 = arith.constant 0 : index
    %get3A_233 = vector.load %arg1[%get3A_230, %get3A_231, %get3A_232] : memref<128x1x112xi32, #tpu.memory_space<vmem>>, vector<1x1x112xi32>
    %get3A_234 = vector.shape_cast %get3A_233 : vector<1x1x112xi32> to vector<1x112xi32>
    %add3A_235 = arith.addi %add3A_229, %get3A_234 : vector<1x112xi32>
    %get3A_236 = arith.constant 8 : index
    %get3A_237 = arith.constant 0 : index
    %get3A_238 = arith.constant 0 : index
    %get3A_239 = vector.load %arg1[%get3A_236, %get3A_237, %get3A_238] : memref<128x1x112xi32, #tpu.memory_space<vmem>>, vector<1x1x112xi32>
    %get3A_240 = vector.shape_cast %get3A_239 : vector<1x1x112xi32> to vector<1x112xi32>
    %add3A_241 = arith.addi %add3A_235, %get3A_240 : vector<1x112xi32>
    %get3A_242 = arith.constant 9 : index
    %get3A_243 = arith.constant 0 : index
    %get3A_244 = arith.constant 0 : index
    %get3A_245 = vector.load %arg1[%get3A_242, %get3A_243, %get3A_244] : memref<128x1x112xi32, #tpu.memory_space<vmem>>, vector<1x1x112xi32>
    %get3A_246 = vector.shape_cast %get3A_245 : vector<1x1x112xi32> to vector<1x112xi32>
    %add3A_247 = arith.addi %add3A_241, %get3A_246 : vector<1x112xi32>
    %get3A_248 = arith.constant 10 : index
    %get3A_249 = arith.constant 0 : index
    %get3A_250 = arith.constant 0 : index
    %get3A_251 = vector.load %arg1[%get3A_248, %get3A_249, %get3A_250] : memref<128x1x112xi32, #tpu.memory_space<vmem>>, vector<1x1x112xi32>
    %get3A_252 = vector.shape_cast %get3A_251 : vector<1x1x112xi32> to vector<1x112xi32>
    %add3A_253 = arith.addi %add3A_247, %get3A_252 : vector<1x112xi32>
    %get3A_254 = arith.constant 11 : index
    %get3A_255 = arith.constant 0 : index
    %get3A_256 = arith.constant 0 : index
    %get3A_257 = vector.load %arg1[%get3A_254, %get3A_255, %get3A_256] : memref<128x1x112xi32, #tpu.memory_space<vmem>>, vector<1x1x112xi32>
    %get3A_258 = vector.shape_cast %get3A_257 : vector<1x1x112xi32> to vector<1x112xi32>
    %add3A_259 = arith.addi %add3A_253, %get3A_258 : vector<1x112xi32>
    %get3A_260 = arith.constant 12 : index
    %get3A_261 = arith.constant 0 : index
    %get3A_262 = arith.constant 0 : index
    %get3A_263 = vector.load %arg1[%get3A_260, %get3A_261, %get3A_262] : memref<128x1x112xi32, #tpu.memory_space<vmem>>, vector<1x1x112xi32>
    %get3A_264 = vector.shape_cast %get3A_263 : vector<1x1x112xi32> to vector<1x112xi32>
    %add3A_265 = arith.addi %add3A_259, %get3A_264 : vector<1x112xi32>
    %get3A_266 = arith.constant 13 : index
    %get3A_267 = arith.constant 0 : index
    %get3A_268 = arith.constant 0 : index
    %get3A_269 = vector.load %arg1[%get3A_266, %get3A_267, %get3A_268] : memref<128x1x112xi32, #tpu.memory_space<vmem>>, vector<1x1x112xi32>
    %get3A_270 = vector.shape_cast %get3A_269 : vector<1x1x112xi32> to vector<1x112xi32>
    %add3A_271 = arith.addi %add3A_265, %get3A_270 : vector<1x112xi32>
    %get3A_272 = arith.constant 14 : index
    %get3A_273 = arith.constant 0 : index
    %get3A_274 = arith.constant 0 : index
    %get3A_275 = vector.load %arg1[%get3A_272, %get3A_273, %get3A_274] : memref<128x1x112xi32, #tpu.memory_space<vmem>>, vector<1x1x112xi32>
    %get3A_276 = vector.shape_cast %get3A_275 : vector<1x1x112xi32> to vector<1x112xi32>
    %add3A_277 = arith.addi %add3A_271, %get3A_276 : vector<1x112xi32>
    %get3A_278 = arith.constant 15 : index
    %get3A_279 = arith.constant 0 : index
    %get3A_280 = arith.constant 0 : index
    %get3A_281 = vector.load %arg1[%get3A_278, %get3A_279, %get3A_280] : memref<128x1x112xi32, #tpu.memory_space<vmem>>, vector<1x1x112xi32>
    %get3A_282 = vector.shape_cast %get3A_281 : vector<1x1x112xi32> to vector<1x112xi32>
    %add3A_283 = arith.addi %add3A_277, %get3A_282 : vector<1x112xi32>
    %get3A_284 = arith.constant 16 : index
    %get3A_285 = arith.constant 0 : index
    %get3A_286 = arith.constant 0 : index
    %get3A_287 = vector.load %arg1[%get3A_284, %get3A_285, %get3A_286] : memref<128x1x112xi32, #tpu.memory_space<vmem>>, vector<1x1x112xi32>
    %get3A_288 = vector.shape_cast %get3A_287 : vector<1x1x112xi32> to vector<1x112xi32>
    %add3A_289 = arith.addi %add3A_283, %get3A_288 : vector<1x112xi32>
    %get3A_290 = arith.constant 17 : index
    %get3A_291 = arith.constant 0 : index
    %get3A_292 = arith.constant 0 : index
    %get3A_293 = vector.load %arg1[%get3A_290, %get3A_291, %get3A_292] : memref<128x1x112xi32, #tpu.memory_space<vmem>>, vector<1x1x112xi32>
    %get3A_294 = vector.shape_cast %get3A_293 : vector<1x1x112xi32> to vector<1x112xi32>
    %add3A_295 = arith.addi %add3A_289, %get3A_294 : vector<1x112xi32>
    %get3A_296 = arith.constant 18 : index
    %get3A_297 = arith.constant 0 : index
    %get3A_298 = arith.constant 0 : index
    %get3A_299 = vector.load %arg1[%get3A_296, %get3A_297, %get3A_298] : memref<128x1x112xi32, #tpu.memory_space<vmem>>, vector<1x1x112xi32>
    %get3A_300 = vector.shape_cast %get3A_299 : vector<1x1x112xi32> to vector<1x112xi32>
    %add3A_301 = arith.addi %add3A_295, %get3A_300 : vector<1x112xi32>
    %get3A_302 = arith.constant 19 : index
    %get3A_303 = arith.constant 0 : index
    %get3A_304 = arith.constant 0 : index
    %get3A_305 = vector.load %arg1[%get3A_302, %get3A_303, %get3A_304] : memref<128x1x112xi32, #tpu.memory_space<vmem>>, vector<1x1x112xi32>
    %get3A_306 = vector.shape_cast %get3A_305 : vector<1x1x112xi32> to vector<1x112xi32>
    %add3A_307 = arith.addi %add3A_301, %get3A_306 : vector<1x112xi32>
    %get3A_308 = arith.constant 20 : index
    %get3A_309 = arith.constant 0 : index
    %get3A_310 = arith.constant 0 : index
    %get3A_311 = vector.load %arg1[%get3A_308, %get3A_309, %get3A_310] : memref<128x1x112xi32, #tpu.memory_space<vmem>>, vector<1x1x112xi32>
    %get3A_312 = vector.shape_cast %get3A_311 : vector<1x1x112xi32> to vector<1x112xi32>
    %add3A_313 = arith.addi %add3A_307, %get3A_312 : vector<1x112xi32>
    %get3A_314 = arith.constant 21 : index
    %get3A_315 = arith.constant 0 : index
    %get3A_316 = arith.constant 0 : index
    %get3A_317 = vector.load %arg1[%get3A_314, %get3A_315, %get3A_316] : memref<128x1x112xi32, #tpu.memory_space<vmem>>, vector<1x1x112xi32>
    %get3A_318 = vector.shape_cast %get3A_317 : vector<1x1x112xi32> to vector<1x112xi32>
    %add3A_319 = arith.addi %add3A_313, %get3A_318 : vector<1x112xi32>
    %get3A_320 = arith.constant 22 : index
    %get3A_321 = arith.constant 0 : index
    %get3A_322 = arith.constant 0 : index
    %get3A_323 = vector.load %arg1[%get3A_320, %get3A_321, %get3A_322] : memref<128x1x112xi32, #tpu.memory_space<vmem>>, vector<1x1x112xi32>
    %get3A_324 = vector.shape_cast %get3A_323 : vector<1x1x112xi32> to vector<1x112xi32>
    %add3A_325 = arith.addi %add3A_319, %get3A_324 : vector<1x112xi32>
    %get3A_326 = arith.constant 23 : index
    %get3A_327 = arith.constant 0 : index
    %get3A_328 = arith.constant 0 : index
    %get3A_329 = vector.load %arg1[%get3A_326, %get3A_327, %get3A_328] : memref<128x1x112xi32, #tpu.memory_space<vmem>>, vector<1x1x112xi32>
    %get3A_330 = vector.shape_cast %get3A_329 : vector<1x1x112xi32> to vector<1x112xi32>
    %add3A_331 = arith.addi %add3A_325, %get3A_330 : vector<1x112xi32>
    %get3A_332 = arith.constant 24 : index
    %get3A_333 = arith.constant 0 : index
    %get3A_334 = arith.constant 0 : index
    %get3A_335 = vector.load %arg1[%get3A_332, %get3A_333, %get3A_334] : memref<128x1x112xi32, #tpu.memory_space<vmem>>, vector<1x1x112xi32>
    %get3A_336 = vector.shape_cast %get3A_335 : vector<1x1x112xi32> to vector<1x112xi32>
    %add3A_337 = arith.addi %add3A_331, %get3A_336 : vector<1x112xi32>
    %get3A_338 = arith.constant 25 : index
    %get3A_339 = arith.constant 0 : index
    %get3A_340 = arith.constant 0 : index
    %get3A_341 = vector.load %arg1[%get3A_338, %get3A_339, %get3A_340] : memref<128x1x112xi32, #tpu.memory_space<vmem>>, vector<1x1x112xi32>
    %get3A_342 = vector.shape_cast %get3A_341 : vector<1x1x112xi32> to vector<1x112xi32>
    %add3A_343 = arith.addi %add3A_337, %get3A_342 : vector<1x112xi32>
    %get3A_344 = arith.constant 26 : index
    %get3A_345 = arith.constant 0 : index
    %get3A_346 = arith.constant 0 : index
    %get3A_347 = vector.load %arg1[%get3A_344, %get3A_345, %get3A_346] : memref<128x1x112xi32, #tpu.memory_space<vmem>>, vector<1x1x112xi32>
    %get3A_348 = vector.shape_cast %get3A_347 : vector<1x1x112xi32> to vector<1x112xi32>
    %add3A_349 = arith.addi %add3A_343, %get3A_348 : vector<1x112xi32>
    %get3A_350 = arith.constant 27 : index
    %get3A_351 = arith.constant 0 : index
    %get3A_352 = arith.constant 0 : index
    %get3A_353 = vector.load %arg1[%get3A_350, %get3A_351, %get3A_352] : memref<128x1x112xi32, #tpu.memory_space<vmem>>, vector<1x1x112xi32>
    %get3A_354 = vector.shape_cast %get3A_353 : vector<1x1x112xi32> to vector<1x112xi32>
    %add3A_355 = arith.addi %add3A_349, %get3A_354 : vector<1x112xi32>
    %get3A_356 = arith.constant 28 : index
    %get3A_357 = arith.constant 0 : index
    %get3A_358 = arith.constant 0 : index
    %get3A_359 = vector.load %arg1[%get3A_356, %get3A_357, %get3A_358] : memref<128x1x112xi32, #tpu.memory_space<vmem>>, vector<1x1x112xi32>
    %get3A_360 = vector.shape_cast %get3A_359 : vector<1x1x112xi32> to vector<1x112xi32>
    %add3A_361 = arith.addi %add3A_355, %get3A_360 : vector<1x112xi32>
    %get3A_362 = arith.constant 29 : index
    %get3A_363 = arith.constant 0 : index
    %get3A_364 = arith.constant 0 : index
    %get3A_365 = vector.load %arg1[%get3A_362, %get3A_363, %get3A_364] : memref<128x1x112xi32, #tpu.memory_space<vmem>>, vector<1x1x112xi32>
    %get3A_366 = vector.shape_cast %get3A_365 : vector<1x1x112xi32> to vector<1x112xi32>
    %add3A_367 = arith.addi %add3A_361, %get3A_366 : vector<1x112xi32>
    %get3A_368 = arith.constant 30 : index
    %get3A_369 = arith.constant 0 : index
    %get3A_370 = arith.constant 0 : index
    %get3A_371 = vector.load %arg1[%get3A_368, %get3A_369, %get3A_370] : memref<128x1x112xi32, #tpu.memory_space<vmem>>, vector<1x1x112xi32>
    %get3A_372 = vector.shape_cast %get3A_371 : vector<1x1x112xi32> to vector<1x112xi32>
    %add3A_373 = arith.addi %add3A_367, %get3A_372 : vector<1x112xi32>
    %get3A_374 = arith.constant 31 : index
    %get3A_375 = arith.constant 0 : index
    %get3A_376 = arith.constant 0 : index
    %get3A_377 = vector.load %arg1[%get3A_374, %get3A_375, %get3A_376] : memref<128x1x112xi32, #tpu.memory_space<vmem>>, vector<1x1x112xi32>
    %get3A_378 = vector.shape_cast %get3A_377 : vector<1x1x112xi32> to vector<1x112xi32>
    %add3A_379 = arith.addi %add3A_373, %get3A_378 : vector<1x112xi32>
    %get3A_380 = arith.constant 32 : index
    %get3A_381 = arith.constant 0 : index
    %get3A_382 = arith.constant 0 : index
    %get3A_383 = vector.load %arg1[%get3A_380, %get3A_381, %get3A_382] : memref<128x1x112xi32, #tpu.memory_space<vmem>>, vector<1x1x112xi32>
    %get3A_384 = vector.shape_cast %get3A_383 : vector<1x1x112xi32> to vector<1x112xi32>
    %add3A_385 = arith.addi %add3A_379, %get3A_384 : vector<1x112xi32>
    %get3A_386 = arith.constant 33 : index
    %get3A_387 = arith.constant 0 : index
    %get3A_388 = arith.constant 0 : index
    %get3A_389 = vector.load %arg1[%get3A_386, %get3A_387, %get3A_388] : memref<128x1x112xi32, #tpu.memory_space<vmem>>, vector<1x1x112xi32>
    %get3A_390 = vector.shape_cast %get3A_389 : vector<1x1x112xi32> to vector<1x112xi32>
    %add3A_391 = arith.addi %add3A_385, %get3A_390 : vector<1x112xi32>
    %get3A_392 = arith.constant 34 : index
    %get3A_393 = arith.constant 0 : index
    %get3A_394 = arith.constant 0 : index
    %get3A_395 = vector.load %arg1[%get3A_392, %get3A_393, %get3A_394] : memref<128x1x112xi32, #tpu.memory_space<vmem>>, vector<1x1x112xi32>
    %get3A_396 = vector.shape_cast %get3A_395 : vector<1x1x112xi32> to vector<1x112xi32>
    %add3A_397 = arith.addi %add3A_391, %get3A_396 : vector<1x112xi32>
    %get3A_398 = arith.constant 35 : index
    %get3A_399 = arith.constant 0 : index
    %get3A_400 = arith.constant 0 : index
    %get3A_401 = vector.load %arg1[%get3A_398, %get3A_399, %get3A_400] : memref<128x1x112xi32, #tpu.memory_space<vmem>>, vector<1x1x112xi32>
    %get3A_402 = vector.shape_cast %get3A_401 : vector<1x1x112xi32> to vector<1x112xi32>
    %add3A_403 = arith.addi %add3A_397, %get3A_402 : vector<1x112xi32>
    %get3A_404 = arith.constant 36 : index
    %get3A_405 = arith.constant 0 : index
    %get3A_406 = arith.constant 0 : index
    %get3A_407 = vector.load %arg1[%get3A_404, %get3A_405, %get3A_406] : memref<128x1x112xi32, #tpu.memory_space<vmem>>, vector<1x1x112xi32>
    %get3A_408 = vector.shape_cast %get3A_407 : vector<1x1x112xi32> to vector<1x112xi32>
    %add3A_409 = arith.addi %add3A_403, %get3A_408 : vector<1x112xi32>
    %get3A_410 = arith.constant 37 : index
    %get3A_411 = arith.constant 0 : index
    %get3A_412 = arith.constant 0 : index
    %get3A_413 = vector.load %arg1[%get3A_410, %get3A_411, %get3A_412] : memref<128x1x112xi32, #tpu.memory_space<vmem>>, vector<1x1x112xi32>
    %get3A_414 = vector.shape_cast %get3A_413 : vector<1x1x112xi32> to vector<1x112xi32>
    %add3A_415 = arith.addi %add3A_409, %get3A_414 : vector<1x112xi32>
    %get3A_416 = arith.constant 38 : index
    %get3A_417 = arith.constant 0 : index
    %get3A_418 = arith.constant 0 : index
    %get3A_419 = vector.load %arg1[%get3A_416, %get3A_417, %get3A_418] : memref<128x1x112xi32, #tpu.memory_space<vmem>>, vector<1x1x112xi32>
    %get3A_420 = vector.shape_cast %get3A_419 : vector<1x1x112xi32> to vector<1x112xi32>
    %add3A_421 = arith.addi %add3A_415, %get3A_420 : vector<1x112xi32>
    %get3A_422 = arith.constant 39 : index
    %get3A_423 = arith.constant 0 : index
    %get3A_424 = arith.constant 0 : index
    %get3A_425 = vector.load %arg1[%get3A_422, %get3A_423, %get3A_424] : memref<128x1x112xi32, #tpu.memory_space<vmem>>, vector<1x1x112xi32>
    %get3A_426 = vector.shape_cast %get3A_425 : vector<1x1x112xi32> to vector<1x112xi32>
    %add3A_427 = arith.addi %add3A_421, %get3A_426 : vector<1x112xi32>
    %get3A_428 = arith.constant 40 : index
    %get3A_429 = arith.constant 0 : index
    %get3A_430 = arith.constant 0 : index
    %get3A_431 = vector.load %arg1[%get3A_428, %get3A_429, %get3A_430] : memref<128x1x112xi32, #tpu.memory_space<vmem>>, vector<1x1x112xi32>
    %get3A_432 = vector.shape_cast %get3A_431 : vector<1x1x112xi32> to vector<1x112xi32>
    %add3A_433 = arith.addi %add3A_427, %get3A_432 : vector<1x112xi32>
    %get3A_434 = arith.constant 41 : index
    %get3A_435 = arith.constant 0 : index
    %get3A_436 = arith.constant 0 : index
    %get3A_437 = vector.load %arg1[%get3A_434, %get3A_435, %get3A_436] : memref<128x1x112xi32, #tpu.memory_space<vmem>>, vector<1x1x112xi32>
    %get3A_438 = vector.shape_cast %get3A_437 : vector<1x1x112xi32> to vector<1x112xi32>
    %add3A_439 = arith.addi %add3A_433, %get3A_438 : vector<1x112xi32>
    %get3A_440 = arith.constant 42 : index
    %get3A_441 = arith.constant 0 : index
    %get3A_442 = arith.constant 0 : index
    %get3A_443 = vector.load %arg1[%get3A_440, %get3A_441, %get3A_442] : memref<128x1x112xi32, #tpu.memory_space<vmem>>, vector<1x1x112xi32>
    %get3A_444 = vector.shape_cast %get3A_443 : vector<1x1x112xi32> to vector<1x112xi32>
    %add3A_445 = arith.addi %add3A_439, %get3A_444 : vector<1x112xi32>
    %get3A_446 = arith.constant 43 : index
    %get3A_447 = arith.constant 0 : index
    %get3A_448 = arith.constant 0 : index
    %get3A_449 = vector.load %arg1[%get3A_446, %get3A_447, %get3A_448] : memref<128x1x112xi32, #tpu.memory_space<vmem>>, vector<1x1x112xi32>
    %get3A_450 = vector.shape_cast %get3A_449 : vector<1x1x112xi32> to vector<1x112xi32>
    %add3A_451 = arith.addi %add3A_445, %get3A_450 : vector<1x112xi32>
    %get3A_452 = arith.constant 44 : index
    %get3A_453 = arith.constant 0 : index
    %get3A_454 = arith.constant 0 : index
    %get3A_455 = vector.load %arg1[%get3A_452, %get3A_453, %get3A_454] : memref<128x1x112xi32, #tpu.memory_space<vmem>>, vector<1x1x112xi32>
    %get3A_456 = vector.shape_cast %get3A_455 : vector<1x1x112xi32> to vector<1x112xi32>
    %add3A_457 = arith.addi %add3A_451, %get3A_456 : vector<1x112xi32>
    %get3A_458 = arith.constant 45 : index
    %get3A_459 = arith.constant 0 : index
    %get3A_460 = arith.constant 0 : index
    %get3A_461 = vector.load %arg1[%get3A_458, %get3A_459, %get3A_460] : memref<128x1x112xi32, #tpu.memory_space<vmem>>, vector<1x1x112xi32>
    %get3A_462 = vector.shape_cast %get3A_461 : vector<1x1x112xi32> to vector<1x112xi32>
    %add3A_463 = arith.addi %add3A_457, %get3A_462 : vector<1x112xi32>
    %get3A_464 = arith.constant 46 : index
    %get3A_465 = arith.constant 0 : index
    %get3A_466 = arith.constant 0 : index
    %get3A_467 = vector.load %arg1[%get3A_464, %get3A_465, %get3A_466] : memref<128x1x112xi32, #tpu.memory_space<vmem>>, vector<1x1x112xi32>
    %get3A_468 = vector.shape_cast %get3A_467 : vector<1x1x112xi32> to vector<1x112xi32>
    %add3A_469 = arith.addi %add3A_463, %get3A_468 : vector<1x112xi32>
    %get3A_470 = arith.constant 47 : index
    %get3A_471 = arith.constant 0 : index
    %get3A_472 = arith.constant 0 : index
    %get3A_473 = vector.load %arg1[%get3A_470, %get3A_471, %get3A_472] : memref<128x1x112xi32, #tpu.memory_space<vmem>>, vector<1x1x112xi32>
    %get3A_474 = vector.shape_cast %get3A_473 : vector<1x1x112xi32> to vector<1x112xi32>
    %add3A_475 = arith.addi %add3A_469, %get3A_474 : vector<1x112xi32>
    %get3A_476 = arith.constant 48 : index
    %get3A_477 = arith.constant 0 : index
    %get3A_478 = arith.constant 0 : index
    %get3A_479 = vector.load %arg1[%get3A_476, %get3A_477, %get3A_478] : memref<128x1x112xi32, #tpu.memory_space<vmem>>, vector<1x1x112xi32>
    %get3A_480 = vector.shape_cast %get3A_479 : vector<1x1x112xi32> to vector<1x112xi32>
    %add3A_481 = arith.addi %add3A_475, %get3A_480 : vector<1x112xi32>
    %get3A_482 = arith.constant 49 : index
    %get3A_483 = arith.constant 0 : index
    %get3A_484 = arith.constant 0 : index
    %get3A_485 = vector.load %arg1[%get3A_482, %get3A_483, %get3A_484] : memref<128x1x112xi32, #tpu.memory_space<vmem>>, vector<1x1x112xi32>
    %get3A_486 = vector.shape_cast %get3A_485 : vector<1x1x112xi32> to vector<1x112xi32>
    %add3A_487 = arith.addi %add3A_481, %get3A_486 : vector<1x112xi32>
    %get3A_488 = arith.constant 50 : index
    %get3A_489 = arith.constant 0 : index
    %get3A_490 = arith.constant 0 : index
    %get3A_491 = vector.load %arg1[%get3A_488, %get3A_489, %get3A_490] : memref<128x1x112xi32, #tpu.memory_space<vmem>>, vector<1x1x112xi32>
    %get3A_492 = vector.shape_cast %get3A_491 : vector<1x1x112xi32> to vector<1x112xi32>
    %add3A_493 = arith.addi %add3A_487, %get3A_492 : vector<1x112xi32>
    %get3A_494 = arith.constant 51 : index
    %get3A_495 = arith.constant 0 : index
    %get3A_496 = arith.constant 0 : index
    %get3A_497 = vector.load %arg1[%get3A_494, %get3A_495, %get3A_496] : memref<128x1x112xi32, #tpu.memory_space<vmem>>, vector<1x1x112xi32>
    %get3A_498 = vector.shape_cast %get3A_497 : vector<1x1x112xi32> to vector<1x112xi32>
    %add3A_499 = arith.addi %add3A_493, %get3A_498 : vector<1x112xi32>
    %get3A_500 = arith.constant 52 : index
    %get3A_501 = arith.constant 0 : index
    %get3A_502 = arith.constant 0 : index
    %get3A_503 = vector.load %arg1[%get3A_500, %get3A_501, %get3A_502] : memref<128x1x112xi32, #tpu.memory_space<vmem>>, vector<1x1x112xi32>
    %get3A_504 = vector.shape_cast %get3A_503 : vector<1x1x112xi32> to vector<1x112xi32>
    %add3A_505 = arith.addi %add3A_499, %get3A_504 : vector<1x112xi32>
    %get3A_506 = arith.constant 53 : index
    %get3A_507 = arith.constant 0 : index
    %get3A_508 = arith.constant 0 : index
    %get3A_509 = vector.load %arg1[%get3A_506, %get3A_507, %get3A_508] : memref<128x1x112xi32, #tpu.memory_space<vmem>>, vector<1x1x112xi32>
    %get3A_510 = vector.shape_cast %get3A_509 : vector<1x1x112xi32> to vector<1x112xi32>
    %add3A_511 = arith.addi %add3A_505, %get3A_510 : vector<1x112xi32>
    %get3A_512 = arith.constant 54 : index
    %get3A_513 = arith.constant 0 : index
    %get3A_514 = arith.constant 0 : index
    %get3A_515 = vector.load %arg1[%get3A_512, %get3A_513, %get3A_514] : memref<128x1x112xi32, #tpu.memory_space<vmem>>, vector<1x1x112xi32>
    %get3A_516 = vector.shape_cast %get3A_515 : vector<1x1x112xi32> to vector<1x112xi32>
    %add3A_517 = arith.addi %add3A_511, %get3A_516 : vector<1x112xi32>
    %get3A_518 = arith.constant 55 : index
    %get3A_519 = arith.constant 0 : index
    %get3A_520 = arith.constant 0 : index
    %get3A_521 = vector.load %arg1[%get3A_518, %get3A_519, %get3A_520] : memref<128x1x112xi32, #tpu.memory_space<vmem>>, vector<1x1x112xi32>
    %get3A_522 = vector.shape_cast %get3A_521 : vector<1x1x112xi32> to vector<1x112xi32>
    %add3A_523 = arith.addi %add3A_517, %get3A_522 : vector<1x112xi32>
    %get3A_524 = arith.constant 56 : index
    %get3A_525 = arith.constant 0 : index
    %get3A_526 = arith.constant 0 : index
    %get3A_527 = vector.load %arg1[%get3A_524, %get3A_525, %get3A_526] : memref<128x1x112xi32, #tpu.memory_space<vmem>>, vector<1x1x112xi32>
    %get3A_528 = vector.shape_cast %get3A_527 : vector<1x1x112xi32> to vector<1x112xi32>
    %add3A_529 = arith.addi %add3A_523, %get3A_528 : vector<1x112xi32>
    %get3A_530 = arith.constant 57 : index
    %get3A_531 = arith.constant 0 : index
    %get3A_532 = arith.constant 0 : index
    %get3A_533 = vector.load %arg1[%get3A_530, %get3A_531, %get3A_532] : memref<128x1x112xi32, #tpu.memory_space<vmem>>, vector<1x1x112xi32>
    %get3A_534 = vector.shape_cast %get3A_533 : vector<1x1x112xi32> to vector<1x112xi32>
    %add3A_535 = arith.addi %add3A_529, %get3A_534 : vector<1x112xi32>
    %get3A_536 = arith.constant 58 : index
    %get3A_537 = arith.constant 0 : index
    %get3A_538 = arith.constant 0 : index
    %get3A_539 = vector.load %arg1[%get3A_536, %get3A_537, %get3A_538] : memref<128x1x112xi32, #tpu.memory_space<vmem>>, vector<1x1x112xi32>
    %get3A_540 = vector.shape_cast %get3A_539 : vector<1x1x112xi32> to vector<1x112xi32>
    %add3A_541 = arith.addi %add3A_535, %get3A_540 : vector<1x112xi32>
    %get3A_542 = arith.constant 59 : index
    %get3A_543 = arith.constant 0 : index
    %get3A_544 = arith.constant 0 : index
    %get3A_545 = vector.load %arg1[%get3A_542, %get3A_543, %get3A_544] : memref<128x1x112xi32, #tpu.memory_space<vmem>>, vector<1x1x112xi32>
    %get3A_546 = vector.shape_cast %get3A_545 : vector<1x1x112xi32> to vector<1x112xi32>
    %add3A_547 = arith.addi %add3A_541, %get3A_546 : vector<1x112xi32>
    %get3A_548 = arith.constant 60 : index
    %get3A_549 = arith.constant 0 : index
    %get3A_550 = arith.constant 0 : index
    %get3A_551 = vector.load %arg1[%get3A_548, %get3A_549, %get3A_550] : memref<128x1x112xi32, #tpu.memory_space<vmem>>, vector<1x1x112xi32>
    %get3A_552 = vector.shape_cast %get3A_551 : vector<1x1x112xi32> to vector<1x112xi32>
    %add3A_553 = arith.addi %add3A_547, %get3A_552 : vector<1x112xi32>
    %get3A_554 = arith.constant 61 : index
    %get3A_555 = arith.constant 0 : index
    %get3A_556 = arith.constant 0 : index
    %get3A_557 = vector.load %arg1[%get3A_554, %get3A_555, %get3A_556] : memref<128x1x112xi32, #tpu.memory_space<vmem>>, vector<1x1x112xi32>
    %get3A_558 = vector.shape_cast %get3A_557 : vector<1x1x112xi32> to vector<1x112xi32>
    %add3A_559 = arith.addi %add3A_553, %get3A_558 : vector<1x112xi32>
    %get3A_560 = arith.constant 62 : index
    %get3A_561 = arith.constant 0 : index
    %get3A_562 = arith.constant 0 : index
    %get3A_563 = vector.load %arg1[%get3A_560, %get3A_561, %get3A_562] : memref<128x1x112xi32, #tpu.memory_space<vmem>>, vector<1x1x112xi32>
    %get3A_564 = vector.shape_cast %get3A_563 : vector<1x1x112xi32> to vector<1x112xi32>
    %add3A_565 = arith.addi %add3A_559, %get3A_564 : vector<1x112xi32>
    %get3A_566 = arith.constant 63 : index
    %get3A_567 = arith.constant 0 : index
    %get3A_568 = arith.constant 0 : index
    %get3A_569 = vector.load %arg1[%get3A_566, %get3A_567, %get3A_568] : memref<128x1x112xi32, #tpu.memory_space<vmem>>, vector<1x1x112xi32>
    %get3A_570 = vector.shape_cast %get3A_569 : vector<1x1x112xi32> to vector<1x112xi32>
    %add3A_571 = arith.addi %add3A_565, %get3A_570 : vector<1x112xi32>
    %get3A_572 = arith.constant 64 : index
    %get3A_573 = arith.constant 0 : index
    %get3A_574 = arith.constant 0 : index
    %get3A_575 = vector.load %arg1[%get3A_572, %get3A_573, %get3A_574] : memref<128x1x112xi32, #tpu.memory_space<vmem>>, vector<1x1x112xi32>
    %get3A_576 = vector.shape_cast %get3A_575 : vector<1x1x112xi32> to vector<1x112xi32>
    %add3A_577 = arith.addi %add3A_571, %get3A_576 : vector<1x112xi32>
    %get3A_578 = arith.constant 65 : index
    %get3A_579 = arith.constant 0 : index
    %get3A_580 = arith.constant 0 : index
    %get3A_581 = vector.load %arg1[%get3A_578, %get3A_579, %get3A_580] : memref<128x1x112xi32, #tpu.memory_space<vmem>>, vector<1x1x112xi32>
    %get3A_582 = vector.shape_cast %get3A_581 : vector<1x1x112xi32> to vector<1x112xi32>
    %add3A_583 = arith.addi %add3A_577, %get3A_582 : vector<1x112xi32>
    %get3A_584 = arith.constant 66 : index
    %get3A_585 = arith.constant 0 : index
    %get3A_586 = arith.constant 0 : index
    %get3A_587 = vector.load %arg1[%get3A_584, %get3A_585, %get3A_586] : memref<128x1x112xi32, #tpu.memory_space<vmem>>, vector<1x1x112xi32>
    %get3A_588 = vector.shape_cast %get3A_587 : vector<1x1x112xi32> to vector<1x112xi32>
    %add3A_589 = arith.addi %add3A_583, %get3A_588 : vector<1x112xi32>
    %get3A_590 = arith.constant 67 : index
    %get3A_591 = arith.constant 0 : index
    %get3A_592 = arith.constant 0 : index
    %get3A_593 = vector.load %arg1[%get3A_590, %get3A_591, %get3A_592] : memref<128x1x112xi32, #tpu.memory_space<vmem>>, vector<1x1x112xi32>
    %get3A_594 = vector.shape_cast %get3A_593 : vector<1x1x112xi32> to vector<1x112xi32>
    %add3A_595 = arith.addi %add3A_589, %get3A_594 : vector<1x112xi32>
    %get3A_596 = arith.constant 68 : index
    %get3A_597 = arith.constant 0 : index
    %get3A_598 = arith.constant 0 : index
    %get3A_599 = vector.load %arg1[%get3A_596, %get3A_597, %get3A_598] : memref<128x1x112xi32, #tpu.memory_space<vmem>>, vector<1x1x112xi32>
    %get3A_600 = vector.shape_cast %get3A_599 : vector<1x1x112xi32> to vector<1x112xi32>
    %add3A_601 = arith.addi %add3A_595, %get3A_600 : vector<1x112xi32>
    %get3A_602 = arith.constant 69 : index
    %get3A_603 = arith.constant 0 : index
    %get3A_604 = arith.constant 0 : index
    %get3A_605 = vector.load %arg1[%get3A_602, %get3A_603, %get3A_604] : memref<128x1x112xi32, #tpu.memory_space<vmem>>, vector<1x1x112xi32>
    %get3A_606 = vector.shape_cast %get3A_605 : vector<1x1x112xi32> to vector<1x112xi32>
    %add3A_607 = arith.addi %add3A_601, %get3A_606 : vector<1x112xi32>
    %get3A_608 = arith.constant 70 : index
    %get3A_609 = arith.constant 0 : index
    %get3A_610 = arith.constant 0 : index
    %get3A_611 = vector.load %arg1[%get3A_608, %get3A_609, %get3A_610] : memref<128x1x112xi32, #tpu.memory_space<vmem>>, vector<1x1x112xi32>
    %get3A_612 = vector.shape_cast %get3A_611 : vector<1x1x112xi32> to vector<1x112xi32>
    %add3A_613 = arith.addi %add3A_607, %get3A_612 : vector<1x112xi32>
    %get3A_614 = arith.constant 71 : index
    %get3A_615 = arith.constant 0 : index
    %get3A_616 = arith.constant 0 : index
    %get3A_617 = vector.load %arg1[%get3A_614, %get3A_615, %get3A_616] : memref<128x1x112xi32, #tpu.memory_space<vmem>>, vector<1x1x112xi32>
    %get3A_618 = vector.shape_cast %get3A_617 : vector<1x1x112xi32> to vector<1x112xi32>
    %add3A_619 = arith.addi %add3A_613, %get3A_618 : vector<1x112xi32>
    %get3A_620 = arith.constant 72 : index
    %get3A_621 = arith.constant 0 : index
    %get3A_622 = arith.constant 0 : index
    %get3A_623 = vector.load %arg1[%get3A_620, %get3A_621, %get3A_622] : memref<128x1x112xi32, #tpu.memory_space<vmem>>, vector<1x1x112xi32>
    %get3A_624 = vector.shape_cast %get3A_623 : vector<1x1x112xi32> to vector<1x112xi32>
    %add3A_625 = arith.addi %add3A_619, %get3A_624 : vector<1x112xi32>
    %get3A_626 = arith.constant 73 : index
    %get3A_627 = arith.constant 0 : index
    %get3A_628 = arith.constant 0 : index
    %get3A_629 = vector.load %arg1[%get3A_626, %get3A_627, %get3A_628] : memref<128x1x112xi32, #tpu.memory_space<vmem>>, vector<1x1x112xi32>
    %get3A_630 = vector.shape_cast %get3A_629 : vector<1x1x112xi32> to vector<1x112xi32>
    %add3A_631 = arith.addi %add3A_625, %get3A_630 : vector<1x112xi32>
    %get3A_632 = arith.constant 74 : index
    %get3A_633 = arith.constant 0 : index
    %get3A_634 = arith.constant 0 : index
    %get3A_635 = vector.load %arg1[%get3A_632, %get3A_633, %get3A_634] : memref<128x1x112xi32, #tpu.memory_space<vmem>>, vector<1x1x112xi32>
    %get3A_636 = vector.shape_cast %get3A_635 : vector<1x1x112xi32> to vector<1x112xi32>
    %add3A_637 = arith.addi %add3A_631, %get3A_636 : vector<1x112xi32>
    %get3A_638 = arith.constant 75 : index
    %get3A_639 = arith.constant 0 : index
    %get3A_640 = arith.constant 0 : index
    %get3A_641 = vector.load %arg1[%get3A_638, %get3A_639, %get3A_640] : memref<128x1x112xi32, #tpu.memory_space<vmem>>, vector<1x1x112xi32>
    %get3A_642 = vector.shape_cast %get3A_641 : vector<1x1x112xi32> to vector<1x112xi32>
    %add3A_643 = arith.addi %add3A_637, %get3A_642 : vector<1x112xi32>
    %get3A_644 = arith.constant 76 : index
    %get3A_645 = arith.constant 0 : index
    %get3A_646 = arith.constant 0 : index
    %get3A_647 = vector.load %arg1[%get3A_644, %get3A_645, %get3A_646] : memref<128x1x112xi32, #tpu.memory_space<vmem>>, vector<1x1x112xi32>
    %get3A_648 = vector.shape_cast %get3A_647 : vector<1x1x112xi32> to vector<1x112xi32>
    %add3A_649 = arith.addi %add3A_643, %get3A_648 : vector<1x112xi32>
    %get3A_650 = arith.constant 77 : index
    %get3A_651 = arith.constant 0 : index
    %get3A_652 = arith.constant 0 : index
    %get3A_653 = vector.load %arg1[%get3A_650, %get3A_651, %get3A_652] : memref<128x1x112xi32, #tpu.memory_space<vmem>>, vector<1x1x112xi32>
    %get3A_654 = vector.shape_cast %get3A_653 : vector<1x1x112xi32> to vector<1x112xi32>
    %add3A_655 = arith.addi %add3A_649, %get3A_654 : vector<1x112xi32>
    %get3A_656 = arith.constant 78 : index
    %get3A_657 = arith.constant 0 : index
    %get3A_658 = arith.constant 0 : index
    %get3A_659 = vector.load %arg1[%get3A_656, %get3A_657, %get3A_658] : memref<128x1x112xi32, #tpu.memory_space<vmem>>, vector<1x1x112xi32>
    %get3A_660 = vector.shape_cast %get3A_659 : vector<1x1x112xi32> to vector<1x112xi32>
    %add3A_661 = arith.addi %add3A_655, %get3A_660 : vector<1x112xi32>
    %get3A_662 = arith.constant 79 : index
    %get3A_663 = arith.constant 0 : index
    %get3A_664 = arith.constant 0 : index
    %get3A_665 = vector.load %arg1[%get3A_662, %get3A_663, %get3A_664] : memref<128x1x112xi32, #tpu.memory_space<vmem>>, vector<1x1x112xi32>
    %get3A_666 = vector.shape_cast %get3A_665 : vector<1x1x112xi32> to vector<1x112xi32>
    %add3A_667 = arith.addi %add3A_661, %get3A_666 : vector<1x112xi32>
    %get3A_668 = arith.constant 80 : index
    %get3A_669 = arith.constant 0 : index
    %get3A_670 = arith.constant 0 : index
    %get3A_671 = vector.load %arg1[%get3A_668, %get3A_669, %get3A_670] : memref<128x1x112xi32, #tpu.memory_space<vmem>>, vector<1x1x112xi32>
    %get3A_672 = vector.shape_cast %get3A_671 : vector<1x1x112xi32> to vector<1x112xi32>
    %add3A_673 = arith.addi %add3A_667, %get3A_672 : vector<1x112xi32>
    %get3A_674 = arith.constant 81 : index
    %get3A_675 = arith.constant 0 : index
    %get3A_676 = arith.constant 0 : index
    %get3A_677 = vector.load %arg1[%get3A_674, %get3A_675, %get3A_676] : memref<128x1x112xi32, #tpu.memory_space<vmem>>, vector<1x1x112xi32>
    %get3A_678 = vector.shape_cast %get3A_677 : vector<1x1x112xi32> to vector<1x112xi32>
    %add3A_679 = arith.addi %add3A_673, %get3A_678 : vector<1x112xi32>
    %get3A_680 = arith.constant 82 : index
    %get3A_681 = arith.constant 0 : index
    %get3A_682 = arith.constant 0 : index
    %get3A_683 = vector.load %arg1[%get3A_680, %get3A_681, %get3A_682] : memref<128x1x112xi32, #tpu.memory_space<vmem>>, vector<1x1x112xi32>
    %get3A_684 = vector.shape_cast %get3A_683 : vector<1x1x112xi32> to vector<1x112xi32>
    %add3A_685 = arith.addi %add3A_679, %get3A_684 : vector<1x112xi32>
    %get3A_686 = arith.constant 83 : index
    %get3A_687 = arith.constant 0 : index
    %get3A_688 = arith.constant 0 : index
    %get3A_689 = vector.load %arg1[%get3A_686, %get3A_687, %get3A_688] : memref<128x1x112xi32, #tpu.memory_space<vmem>>, vector<1x1x112xi32>
    %get3A_690 = vector.shape_cast %get3A_689 : vector<1x1x112xi32> to vector<1x112xi32>
    %add3A_691 = arith.addi %add3A_685, %get3A_690 : vector<1x112xi32>
    %get3A_692 = arith.constant 84 : index
    %get3A_693 = arith.constant 0 : index
    %get3A_694 = arith.constant 0 : index
    %get3A_695 = vector.load %arg1[%get3A_692, %get3A_693, %get3A_694] : memref<128x1x112xi32, #tpu.memory_space<vmem>>, vector<1x1x112xi32>
    %get3A_696 = vector.shape_cast %get3A_695 : vector<1x1x112xi32> to vector<1x112xi32>
    %add3A_697 = arith.addi %add3A_691, %get3A_696 : vector<1x112xi32>
    %get3A_698 = arith.constant 85 : index
    %get3A_699 = arith.constant 0 : index
    %get3A_700 = arith.constant 0 : index
    %get3A_701 = vector.load %arg1[%get3A_698, %get3A_699, %get3A_700] : memref<128x1x112xi32, #tpu.memory_space<vmem>>, vector<1x1x112xi32>
    %get3A_702 = vector.shape_cast %get3A_701 : vector<1x1x112xi32> to vector<1x112xi32>
    %add3A_703 = arith.addi %add3A_697, %get3A_702 : vector<1x112xi32>
    %get3A_704 = arith.constant 86 : index
    %get3A_705 = arith.constant 0 : index
    %get3A_706 = arith.constant 0 : index
    %get3A_707 = vector.load %arg1[%get3A_704, %get3A_705, %get3A_706] : memref<128x1x112xi32, #tpu.memory_space<vmem>>, vector<1x1x112xi32>
    %get3A_708 = vector.shape_cast %get3A_707 : vector<1x1x112xi32> to vector<1x112xi32>
    %add3A_709 = arith.addi %add3A_703, %get3A_708 : vector<1x112xi32>
    %get3A_710 = arith.constant 87 : index
    %get3A_711 = arith.constant 0 : index
    %get3A_712 = arith.constant 0 : index
    %get3A_713 = vector.load %arg1[%get3A_710, %get3A_711, %get3A_712] : memref<128x1x112xi32, #tpu.memory_space<vmem>>, vector<1x1x112xi32>
    %get3A_714 = vector.shape_cast %get3A_713 : vector<1x1x112xi32> to vector<1x112xi32>
    %add3A_715 = arith.addi %add3A_709, %get3A_714 : vector<1x112xi32>
    %get3A_716 = arith.constant 88 : index
    %get3A_717 = arith.constant 0 : index
    %get3A_718 = arith.constant 0 : index
    %get3A_719 = vector.load %arg1[%get3A_716, %get3A_717, %get3A_718] : memref<128x1x112xi32, #tpu.memory_space<vmem>>, vector<1x1x112xi32>
    %get3A_720 = vector.shape_cast %get3A_719 : vector<1x1x112xi32> to vector<1x112xi32>
    %add3A_721 = arith.addi %add3A_715, %get3A_720 : vector<1x112xi32>
    %get3A_722 = arith.constant 89 : index
    %get3A_723 = arith.constant 0 : index
    %get3A_724 = arith.constant 0 : index
    %get3A_725 = vector.load %arg1[%get3A_722, %get3A_723, %get3A_724] : memref<128x1x112xi32, #tpu.memory_space<vmem>>, vector<1x1x112xi32>
    %get3A_726 = vector.shape_cast %get3A_725 : vector<1x1x112xi32> to vector<1x112xi32>
    %add3A_727 = arith.addi %add3A_721, %get3A_726 : vector<1x112xi32>
    %get3A_728 = arith.constant 90 : index
    %get3A_729 = arith.constant 0 : index
    %get3A_730 = arith.constant 0 : index
    %get3A_731 = vector.load %arg1[%get3A_728, %get3A_729, %get3A_730] : memref<128x1x112xi32, #tpu.memory_space<vmem>>, vector<1x1x112xi32>
    %get3A_732 = vector.shape_cast %get3A_731 : vector<1x1x112xi32> to vector<1x112xi32>
    %add3A_733 = arith.addi %add3A_727, %get3A_732 : vector<1x112xi32>
    %get3A_734 = arith.constant 91 : index
    %get3A_735 = arith.constant 0 : index
    %get3A_736 = arith.constant 0 : index
    %get3A_737 = vector.load %arg1[%get3A_734, %get3A_735, %get3A_736] : memref<128x1x112xi32, #tpu.memory_space<vmem>>, vector<1x1x112xi32>
    %get3A_738 = vector.shape_cast %get3A_737 : vector<1x1x112xi32> to vector<1x112xi32>
    %add3A_739 = arith.addi %add3A_733, %get3A_738 : vector<1x112xi32>
    %get3A_740 = arith.constant 92 : index
    %get3A_741 = arith.constant 0 : index
    %get3A_742 = arith.constant 0 : index
    %get3A_743 = vector.load %arg1[%get3A_740, %get3A_741, %get3A_742] : memref<128x1x112xi32, #tpu.memory_space<vmem>>, vector<1x1x112xi32>
    %get3A_744 = vector.shape_cast %get3A_743 : vector<1x1x112xi32> to vector<1x112xi32>
    %add3A_745 = arith.addi %add3A_739, %get3A_744 : vector<1x112xi32>
    %get3A_746 = arith.constant 93 : index
    %get3A_747 = arith.constant 0 : index
    %get3A_748 = arith.constant 0 : index
    %get3A_749 = vector.load %arg1[%get3A_746, %get3A_747, %get3A_748] : memref<128x1x112xi32, #tpu.memory_space<vmem>>, vector<1x1x112xi32>
    %get3A_750 = vector.shape_cast %get3A_749 : vector<1x1x112xi32> to vector<1x112xi32>
    %add3A_751 = arith.addi %add3A_745, %get3A_750 : vector<1x112xi32>
    %get3A_752 = arith.constant 94 : index
    %get3A_753 = arith.constant 0 : index
    %get3A_754 = arith.constant 0 : index
    %get3A_755 = vector.load %arg1[%get3A_752, %get3A_753, %get3A_754] : memref<128x1x112xi32, #tpu.memory_space<vmem>>, vector<1x1x112xi32>
    %get3A_756 = vector.shape_cast %get3A_755 : vector<1x1x112xi32> to vector<1x112xi32>
    %add3A_757 = arith.addi %add3A_751, %get3A_756 : vector<1x112xi32>
    %get3A_758 = arith.constant 95 : index
    %get3A_759 = arith.constant 0 : index
    %get3A_760 = arith.constant 0 : index
    %get3A_761 = vector.load %arg1[%get3A_758, %get3A_759, %get3A_760] : memref<128x1x112xi32, #tpu.memory_space<vmem>>, vector<1x1x112xi32>
    %get3A_762 = vector.shape_cast %get3A_761 : vector<1x1x112xi32> to vector<1x112xi32>
    %add3A_763 = arith.addi %add3A_757, %get3A_762 : vector<1x112xi32>
    %get3A_764 = arith.constant 96 : index
    %get3A_765 = arith.constant 0 : index
    %get3A_766 = arith.constant 0 : index
    %get3A_767 = vector.load %arg1[%get3A_764, %get3A_765, %get3A_766] : memref<128x1x112xi32, #tpu.memory_space<vmem>>, vector<1x1x112xi32>
    %get3A_768 = vector.shape_cast %get3A_767 : vector<1x1x112xi32> to vector<1x112xi32>
    %add3A_769 = arith.addi %add3A_763, %get3A_768 : vector<1x112xi32>
    %get3A_770 = arith.constant 97 : index
    %get3A_771 = arith.constant 0 : index
    %get3A_772 = arith.constant 0 : index
    %get3A_773 = vector.load %arg1[%get3A_770, %get3A_771, %get3A_772] : memref<128x1x112xi32, #tpu.memory_space<vmem>>, vector<1x1x112xi32>
    %get3A_774 = vector.shape_cast %get3A_773 : vector<1x1x112xi32> to vector<1x112xi32>
    %add3A_775 = arith.addi %add3A_769, %get3A_774 : vector<1x112xi32>
    %get3A_776 = arith.constant 98 : index
    %get3A_777 = arith.constant 0 : index
    %get3A_778 = arith.constant 0 : index
    %get3A_779 = vector.load %arg1[%get3A_776, %get3A_777, %get3A_778] : memref<128x1x112xi32, #tpu.memory_space<vmem>>, vector<1x1x112xi32>
    %get3A_780 = vector.shape_cast %get3A_779 : vector<1x1x112xi32> to vector<1x112xi32>
    %add3A_781 = arith.addi %add3A_775, %get3A_780 : vector<1x112xi32>
    %get3A_782 = arith.constant 99 : index
    %get3A_783 = arith.constant 0 : index
    %get3A_784 = arith.constant 0 : index
    %get3A_785 = vector.load %arg1[%get3A_782, %get3A_783, %get3A_784] : memref<128x1x112xi32, #tpu.memory_space<vmem>>, vector<1x1x112xi32>
    %get3A_786 = vector.shape_cast %get3A_785 : vector<1x1x112xi32> to vector<1x112xi32>
    %add3A_787 = arith.addi %add3A_781, %get3A_786 : vector<1x112xi32>
    %get3A_788 = arith.constant 100 : index
    %get3A_789 = arith.constant 0 : index
    %get3A_790 = arith.constant 0 : index
    %get3A_791 = vector.load %arg1[%get3A_788, %get3A_789, %get3A_790] : memref<128x1x112xi32, #tpu.memory_space<vmem>>, vector<1x1x112xi32>
    %get3A_792 = vector.shape_cast %get3A_791 : vector<1x1x112xi32> to vector<1x112xi32>
    %add3A_793 = arith.addi %add3A_787, %get3A_792 : vector<1x112xi32>
    %get3A_794 = arith.constant 101 : index
    %get3A_795 = arith.constant 0 : index
    %get3A_796 = arith.constant 0 : index
    %get3A_797 = vector.load %arg1[%get3A_794, %get3A_795, %get3A_796] : memref<128x1x112xi32, #tpu.memory_space<vmem>>, vector<1x1x112xi32>
    %get3A_798 = vector.shape_cast %get3A_797 : vector<1x1x112xi32> to vector<1x112xi32>
    %add3A_799 = arith.addi %add3A_793, %get3A_798 : vector<1x112xi32>
    %get3A_800 = arith.constant 102 : index
    %get3A_801 = arith.constant 0 : index
    %get3A_802 = arith.constant 0 : index
    %get3A_803 = vector.load %arg1[%get3A_800, %get3A_801, %get3A_802] : memref<128x1x112xi32, #tpu.memory_space<vmem>>, vector<1x1x112xi32>
    %get3A_804 = vector.shape_cast %get3A_803 : vector<1x1x112xi32> to vector<1x112xi32>
    %add3A_805 = arith.addi %add3A_799, %get3A_804 : vector<1x112xi32>
    %get3A_806 = arith.constant 103 : index
    %get3A_807 = arith.constant 0 : index
    %get3A_808 = arith.constant 0 : index
    %get3A_809 = vector.load %arg1[%get3A_806, %get3A_807, %get3A_808] : memref<128x1x112xi32, #tpu.memory_space<vmem>>, vector<1x1x112xi32>
    %get3A_810 = vector.shape_cast %get3A_809 : vector<1x1x112xi32> to vector<1x112xi32>
    %add3A_811 = arith.addi %add3A_805, %get3A_810 : vector<1x112xi32>
    %get3A_812 = arith.constant 104 : index
    %get3A_813 = arith.constant 0 : index
    %get3A_814 = arith.constant 0 : index
    %get3A_815 = vector.load %arg1[%get3A_812, %get3A_813, %get3A_814] : memref<128x1x112xi32, #tpu.memory_space<vmem>>, vector<1x1x112xi32>
    %get3A_816 = vector.shape_cast %get3A_815 : vector<1x1x112xi32> to vector<1x112xi32>
    %add3A_817 = arith.addi %add3A_811, %get3A_816 : vector<1x112xi32>
    %get3A_818 = arith.constant 105 : index
    %get3A_819 = arith.constant 0 : index
    %get3A_820 = arith.constant 0 : index
    %get3A_821 = vector.load %arg1[%get3A_818, %get3A_819, %get3A_820] : memref<128x1x112xi32, #tpu.memory_space<vmem>>, vector<1x1x112xi32>
    %get3A_822 = vector.shape_cast %get3A_821 : vector<1x1x112xi32> to vector<1x112xi32>
    %add3A_823 = arith.addi %add3A_817, %get3A_822 : vector<1x112xi32>
    %get3A_824 = arith.constant 106 : index
    %get3A_825 = arith.constant 0 : index
    %get3A_826 = arith.constant 0 : index
    %get3A_827 = vector.load %arg1[%get3A_824, %get3A_825, %get3A_826] : memref<128x1x112xi32, #tpu.memory_space<vmem>>, vector<1x1x112xi32>
    %get3A_828 = vector.shape_cast %get3A_827 : vector<1x1x112xi32> to vector<1x112xi32>
    %add3A_829 = arith.addi %add3A_823, %get3A_828 : vector<1x112xi32>
    %get3A_830 = arith.constant 107 : index
    %get3A_831 = arith.constant 0 : index
    %get3A_832 = arith.constant 0 : index
    %get3A_833 = vector.load %arg1[%get3A_830, %get3A_831, %get3A_832] : memref<128x1x112xi32, #tpu.memory_space<vmem>>, vector<1x1x112xi32>
    %get3A_834 = vector.shape_cast %get3A_833 : vector<1x1x112xi32> to vector<1x112xi32>
    %add3A_835 = arith.addi %add3A_829, %get3A_834 : vector<1x112xi32>
    %get3A_836 = arith.constant 108 : index
    %get3A_837 = arith.constant 0 : index
    %get3A_838 = arith.constant 0 : index
    %get3A_839 = vector.load %arg1[%get3A_836, %get3A_837, %get3A_838] : memref<128x1x112xi32, #tpu.memory_space<vmem>>, vector<1x1x112xi32>
    %get3A_840 = vector.shape_cast %get3A_839 : vector<1x1x112xi32> to vector<1x112xi32>
    %add3A_841 = arith.addi %add3A_835, %get3A_840 : vector<1x112xi32>
    %get3A_842 = arith.constant 109 : index
    %get3A_843 = arith.constant 0 : index
    %get3A_844 = arith.constant 0 : index
    %get3A_845 = vector.load %arg1[%get3A_842, %get3A_843, %get3A_844] : memref<128x1x112xi32, #tpu.memory_space<vmem>>, vector<1x1x112xi32>
    %get3A_846 = vector.shape_cast %get3A_845 : vector<1x1x112xi32> to vector<1x112xi32>
    %add3A_847 = arith.addi %add3A_841, %get3A_846 : vector<1x112xi32>
    %get3A_848 = arith.constant 110 : index
    %get3A_849 = arith.constant 0 : index
    %get3A_850 = arith.constant 0 : index
    %get3A_851 = vector.load %arg1[%get3A_848, %get3A_849, %get3A_850] : memref<128x1x112xi32, #tpu.memory_space<vmem>>, vector<1x1x112xi32>
    %get3A_852 = vector.shape_cast %get3A_851 : vector<1x1x112xi32> to vector<1x112xi32>
    %add3A_853 = arith.addi %add3A_847, %get3A_852 : vector<1x112xi32>
    %get3A_854 = arith.constant 111 : index
    %get3A_855 = arith.constant 0 : index
    %get3A_856 = arith.constant 0 : index
    %get3A_857 = vector.load %arg1[%get3A_854, %get3A_855, %get3A_856] : memref<128x1x112xi32, #tpu.memory_space<vmem>>, vector<1x1x112xi32>
    %get3A_858 = vector.shape_cast %get3A_857 : vector<1x1x112xi32> to vector<1x112xi32>
    %add3A_859 = arith.addi %add3A_853, %get3A_858 : vector<1x112xi32>
    %get3A_860 = arith.constant 112 : index
    %get3A_861 = arith.constant 0 : index
    %get3A_862 = arith.constant 0 : index
    %get3A_863 = vector.load %arg1[%get3A_860, %get3A_861, %get3A_862] : memref<128x1x112xi32, #tpu.memory_space<vmem>>, vector<1x1x112xi32>
    %get3A_864 = vector.shape_cast %get3A_863 : vector<1x1x112xi32> to vector<1x112xi32>
    %add3A_865 = arith.addi %add3A_859, %get3A_864 : vector<1x112xi32>
    %get3A_866 = arith.constant 113 : index
    %get3A_867 = arith.constant 0 : index
    %get3A_868 = arith.constant 0 : index
    %get3A_869 = vector.load %arg1[%get3A_866, %get3A_867, %get3A_868] : memref<128x1x112xi32, #tpu.memory_space<vmem>>, vector<1x1x112xi32>
    %get3A_870 = vector.shape_cast %get3A_869 : vector<1x1x112xi32> to vector<1x112xi32>
    %add3A_871 = arith.addi %add3A_865, %get3A_870 : vector<1x112xi32>
    %get3A_872 = arith.constant 114 : index
    %get3A_873 = arith.constant 0 : index
    %get3A_874 = arith.constant 0 : index
    %get3A_875 = vector.load %arg1[%get3A_872, %get3A_873, %get3A_874] : memref<128x1x112xi32, #tpu.memory_space<vmem>>, vector<1x1x112xi32>
    %get3A_876 = vector.shape_cast %get3A_875 : vector<1x1x112xi32> to vector<1x112xi32>
    %add3A_877 = arith.addi %add3A_871, %get3A_876 : vector<1x112xi32>
    %get3A_878 = arith.constant 115 : index
    %get3A_879 = arith.constant 0 : index
    %get3A_880 = arith.constant 0 : index
    %get3A_881 = vector.load %arg1[%get3A_878, %get3A_879, %get3A_880] : memref<128x1x112xi32, #tpu.memory_space<vmem>>, vector<1x1x112xi32>
    %get3A_882 = vector.shape_cast %get3A_881 : vector<1x1x112xi32> to vector<1x112xi32>
    %add3A_883 = arith.addi %add3A_877, %get3A_882 : vector<1x112xi32>
    %get3A_884 = arith.constant 116 : index
    %get3A_885 = arith.constant 0 : index
    %get3A_886 = arith.constant 0 : index
    %get3A_887 = vector.load %arg1[%get3A_884, %get3A_885, %get3A_886] : memref<128x1x112xi32, #tpu.memory_space<vmem>>, vector<1x1x112xi32>
    %get3A_888 = vector.shape_cast %get3A_887 : vector<1x1x112xi32> to vector<1x112xi32>
    %add3A_889 = arith.addi %add3A_883, %get3A_888 : vector<1x112xi32>
    %get3A_890 = arith.constant 117 : index
    %get3A_891 = arith.constant 0 : index
    %get3A_892 = arith.constant 0 : index
    %get3A_893 = vector.load %arg1[%get3A_890, %get3A_891, %get3A_892] : memref<128x1x112xi32, #tpu.memory_space<vmem>>, vector<1x1x112xi32>
    %get3A_894 = vector.shape_cast %get3A_893 : vector<1x1x112xi32> to vector<1x112xi32>
    %add3A_895 = arith.addi %add3A_889, %get3A_894 : vector<1x112xi32>
    %get3A_896 = arith.constant 118 : index
    %get3A_897 = arith.constant 0 : index
    %get3A_898 = arith.constant 0 : index
    %get3A_899 = vector.load %arg1[%get3A_896, %get3A_897, %get3A_898] : memref<128x1x112xi32, #tpu.memory_space<vmem>>, vector<1x1x112xi32>
    %get3A_900 = vector.shape_cast %get3A_899 : vector<1x1x112xi32> to vector<1x112xi32>
    %add3A_901 = arith.addi %add3A_895, %get3A_900 : vector<1x112xi32>
    %get3A_902 = arith.constant 119 : index
    %get3A_903 = arith.constant 0 : index
    %get3A_904 = arith.constant 0 : index
    %get3A_905 = vector.load %arg1[%get3A_902, %get3A_903, %get3A_904] : memref<128x1x112xi32, #tpu.memory_space<vmem>>, vector<1x1x112xi32>
    %get3A_906 = vector.shape_cast %get3A_905 : vector<1x1x112xi32> to vector<1x112xi32>
    %add3A_907 = arith.addi %add3A_901, %get3A_906 : vector<1x112xi32>
    %get3A_908 = arith.constant 120 : index
    %get3A_909 = arith.constant 0 : index
    %get3A_910 = arith.constant 0 : index
    %get3A_911 = vector.load %arg1[%get3A_908, %get3A_909, %get3A_910] : memref<128x1x112xi32, #tpu.memory_space<vmem>>, vector<1x1x112xi32>
    %get3A_912 = vector.shape_cast %get3A_911 : vector<1x1x112xi32> to vector<1x112xi32>
    %add3A_913 = arith.addi %add3A_907, %get3A_912 : vector<1x112xi32>
    %get3A_914 = arith.constant 121 : index
    %get3A_915 = arith.constant 0 : index
    %get3A_916 = arith.constant 0 : index
    %get3A_917 = vector.load %arg1[%get3A_914, %get3A_915, %get3A_916] : memref<128x1x112xi32, #tpu.memory_space<vmem>>, vector<1x1x112xi32>
    %get3A_918 = vector.shape_cast %get3A_917 : vector<1x1x112xi32> to vector<1x112xi32>
    %add3A_919 = arith.addi %add3A_913, %get3A_918 : vector<1x112xi32>
    %get3A_920 = arith.constant 122 : index
    %get3A_921 = arith.constant 0 : index
    %get3A_922 = arith.constant 0 : index
    %get3A_923 = vector.load %arg1[%get3A_920, %get3A_921, %get3A_922] : memref<128x1x112xi32, #tpu.memory_space<vmem>>, vector<1x1x112xi32>
    %get3A_924 = vector.shape_cast %get3A_923 : vector<1x1x112xi32> to vector<1x112xi32>
    %add3A_925 = arith.addi %add3A_919, %get3A_924 : vector<1x112xi32>
    %get3A_926 = arith.constant 123 : index
    %get3A_927 = arith.constant 0 : index
    %get3A_928 = arith.constant 0 : index
    %get3A_929 = vector.load %arg1[%get3A_926, %get3A_927, %get3A_928] : memref<128x1x112xi32, #tpu.memory_space<vmem>>, vector<1x1x112xi32>
    %get3A_930 = vector.shape_cast %get3A_929 : vector<1x1x112xi32> to vector<1x112xi32>
    %add3A_931 = arith.addi %add3A_925, %get3A_930 : vector<1x112xi32>
    %get3A_932 = arith.constant 124 : index
    %get3A_933 = arith.constant 0 : index
    %get3A_934 = arith.constant 0 : index
    %get3A_935 = vector.load %arg1[%get3A_932, %get3A_933, %get3A_934] : memref<128x1x112xi32, #tpu.memory_space<vmem>>, vector<1x1x112xi32>
    %get3A_936 = vector.shape_cast %get3A_935 : vector<1x1x112xi32> to vector<1x112xi32>
    %add3A_937 = arith.addi %add3A_931, %get3A_936 : vector<1x112xi32>
    %get3A_938 = arith.constant 125 : index
    %get3A_939 = arith.constant 0 : index
    %get3A_940 = arith.constant 0 : index
    %get3A_941 = vector.load %arg1[%get3A_938, %get3A_939, %get3A_940] : memref<128x1x112xi32, #tpu.memory_space<vmem>>, vector<1x1x112xi32>
    %get3A_942 = vector.shape_cast %get3A_941 : vector<1x1x112xi32> to vector<1x112xi32>
    %add3A_943 = arith.addi %add3A_937, %get3A_942 : vector<1x112xi32>
    %get3A_944 = arith.constant 126 : index
    %get3A_945 = arith.constant 0 : index
    %get3A_946 = arith.constant 0 : index
    %get3A_947 = vector.load %arg1[%get3A_944, %get3A_945, %get3A_946] : memref<128x1x112xi32, #tpu.memory_space<vmem>>, vector<1x1x112xi32>
    %get3A_948 = vector.shape_cast %get3A_947 : vector<1x1x112xi32> to vector<1x112xi32>
    %add3A_949 = arith.addi %add3A_943, %get3A_948 : vector<1x112xi32>
    %get3A_950 = arith.constant 127 : index
    %get3A_951 = arith.constant 0 : index
    %get3A_952 = arith.constant 0 : index
    %get3A_953 = vector.load %arg1[%get3A_950, %get3A_951, %get3A_952] : memref<128x1x112xi32, #tpu.memory_space<vmem>>, vector<1x1x112xi32>
    %get3A_954 = vector.shape_cast %get3A_953 : vector<1x1x112xi32> to vector<1x112xi32>
    %add3A_955 = arith.addi %add3A_949, %get3A_954 : vector<1x112xi32>
    %convert_element_type3A = arith.sitofp %add3A_955 : vector<1x112xi32> to vector<1x112xf32>
    %mul3A = arith.constant 0.0666666701 : f32
    %mul3A_956 = vector.broadcast %mul3A : f32 to vector<1x112xf32>
    %mul3A_957 = arith.mulf %convert_element_type3A, %mul3A_956 : vector<1x112xf32>
    %convert_element_type3A_958 = arith.fptosi %mul3A_957 : vector<1x112xf32> to vector<1x112xi32>
    %add3A_959 = arith.constant 1 : i32
    %add3A_960 = vector.broadcast %add3A_959 : i32 to vector<1x112xi32>
    %add3A_961 = arith.addi %convert_element_type3A_958, %add3A_960 : vector<1x112xi32>
    %mul3A_962 = arith.constant 15 : i32
    %mul3A_963 = vector.broadcast %mul3A_962 : i32 to vector<1x112xi32>
    %mul3A_964 = arith.muli %add3A_961, %mul3A_963 : vector<1x112xi32>
    %ge3A = arith.cmpi sge, %add3A_955, %mul3A_964 : vector<1x112xi32>
    %convert_element_type3A_965 = arith.extui %ge3A : vector<1x112xi1> to vector<1x112xi32>
    %add3A_966 = arith.addi %convert_element_type3A_958, %convert_element_type3A_965 : vector<1x112xi32>
    %mul3A_967 = arith.constant 15 : i32
    %mul3A_968 = vector.broadcast %mul3A_967 : i32 to vector<1x112xi32>
    %mul3A_969 = arith.muli %convert_element_type3A_958, %mul3A_968 : vector<1x112xi32>
    %lt3A = arith.cmpi slt, %add3A_955, %mul3A_969 : vector<1x112xi32>
    %convert_element_type3A_970 = arith.extui %lt3A : vector<1x112xi1> to vector<1x112xi32>
    %sub3A = arith.subi %add3A_966, %convert_element_type3A_970 : vector<1x112xi32>
    %convert_element_type3A_971 = arith.sitofp %sub3A : vector<1x112xi32> to vector<1x112xf32>
    %mul3A_972 = arith.constant 1.500000e+03 : f32
    %mul3A_973 = vector.broadcast %mul3A_972 : f32 to vector<1x112xf32>
    %mul3A_974 = arith.mulf %convert_element_type3A_971, %mul3A_973 : vector<1x112xf32>
    %div3A = arith.constant 1.000000e+00 : f32
    %div3A_975 = vector.broadcast %div3A : f32 to vector<1x112xf32>
    %div3A_976 = arith.divf %div3A_975, %mul3A_974 : vector<1x112xf32>
    %iota3A = tpu.iota {dimensions = array<i32: 1>} : vector<1x112xi32>
    %lt3A_977 = arith.constant 100 : i32
    %lt3A_978 = vector.broadcast %lt3A_977 : i32 to vector<1x112xi32>
    %lt3A_979 = arith.cmpi slt, %iota3A, %lt3A_978 : vector<1x112xi32>
    %jit3A = arith.constant 0.000000e+00 : f32
    %broadcast_in_dim3A = vector.broadcast %jit3A : f32 to vector<1x112xf32>
    %select_n3A = arith.select %lt3A_979, %div3A_976, %broadcast_in_dim3A : vector<1x112xi1>, vector<1x112xf32>
    %broadcast_in_dim3A_980 = arith.constant 0.000000e+00 : f32
    %broadcast_in_dim3A_981 = vector.broadcast %broadcast_in_dim3A_980 : f32 to vector<1x16xf32>
    %concatenate3A = tpu.concatenate %select_n3A, %broadcast_in_dim3A_981 in 1 : vector<1x112xf32>, vector<1x16xf32> -> vector<1x128xf32>
    %abs3A = math.absf %add3A_193 : vector<16x128xf32>
    %mul3A_982 = vector.broadcast %concatenate3A : vector<1x128xf32> to vector<16x128xf32>
    %mul3A_983 = arith.mulf %abs3A, %mul3A_982 : vector<16x128xf32>
    %iota3A_984 = tpu.iota {dimensions = array<i32: 0>} : vector<16x128xi32>
    %lt3A_985 = arith.constant 15 : i32
    %lt3A_986 = vector.broadcast %lt3A_985 : i32 to vector<16x128xi32>
    %lt3A_987 = arith.cmpi slt, %iota3A_984, %lt3A_986 : vector<16x128xi32>
    %jit3A_988 = arith.constant 0.000000e+00 : f32
    %broadcast_in_dim3A_989 = vector.broadcast %jit3A_988 : f32 to vector<16x128xf32>
    %select_n3A_990 = arith.select %lt3A_987, %mul3A_983, %broadcast_in_dim3A_989 : vector<16x128xi1>, vector<16x128xf32>
    %reduce_sum3A = vector.shape_cast %select_n3A_990 : vector<16x128xf32> to vector<1x16x128xf32>
    %reduce_sum3A_991 = arith.constant dense<0.000000e+00> : vector<1xf32>
    %reduce_sum3A_992 = vector.multi_reduction <add>, %reduce_sum3A, %reduce_sum3A_991 [1, 2] : vector<1x16x128xf32> to vector<1xf32>
    %reduce_sum3A_993 = vector.shape_cast %reduce_sum3A_992 : vector<1xf32> to vector<1x1x1xf32>
    %reduce_sum3A_994 = vector.extract %reduce_sum3A_993[0, 0, 0] : f32 from vector<1x1x1xf32>
    %reshape3A = vector.broadcast %reduce_sum3A_994 : f32 to vector<1x1xf32>
    %swap3A = arith.constant 0 : index
    %swap3A_995 = arith.constant 0 : index
    %swap3A_996 = vector.load %arg2[%swap3A, %swap3A_995] : memref<1x1xf32, #tpu.memory_space<vmem>>, vector<1x1xf32>
    tpu.vector_store %arg2[%swap3A, %swap3A_995], %reshape3A {strides = array<i32>} : memref<1x1xf32, #tpu.memory_space<vmem>>, vector<1x1xf32>,
    return
  }
}

</mosaic_0001>

<sc_bundles>
// kernel: kernel.5.cloned.1.call-start
scs
__scs_entry_jumppad:
0x0: {  	(pc) =	sbr.rel $0x88, $3  }
0x1: {  	(tag) =	ssettag $0x0;
	lr =	simm.s32 $0x1  }
0x2: {  	[smem:$0x3F9E] =	sst lr;
	_ =	strace $0xD0000000  }
0x3: {  	_ = 	snop  }
0x4: {  	_ = 	snop  }
0x5: {  	_ = 	snop  }
0x6: {  	_ = 	snop  }
0x7: {  	_ = 	snop  }
__scs_overlays_trampoline_lowered:
0x8: {  	[smem:$0x3FAD] =	sst s0  }
0x9: {  	[smem:$0x3FAE] =	sst s1  }
0xa: {  	[smem:$0x3FAF] =	sst s2  }
0xb: {  	[smem:$0x3FB0] =	sst s3  }
0xc: {  	[smem:$0x3FB1] =	sst s4  }
0xd: {  	[smem:$0x3FB2] =	sst s5  }
0xe: {  	[smem:$0x3FB3] =	sst s6  }
0xf: {  	[smem:$0x3FB4] =	sst s7  }
0x10: {  	[smem:$0x3FB5] =	sst s8  }
0x11: {  	[smem:$0x3FB6] =	sst s9;
	s0 =	simm.s32 @!p0 $0x0  }
0x12: {  	s1 =	sld [smem:$0x3F9C];
	s0 =	simm.s32 @p0 $0x1  }
0x13: {  	[smem:$0x3FB7] =	sst s0;
	s0 =	simm.s32 @!p1 $0x0  }
0x14: {  	s2 =	sld [smem:$0x3F9B];
	s0 =	simm.s32 @p1 $0x1  }
0x15: {  	[smem:$0x3FB8] =	sst s0;
	s0 =	simm.s32 @!p2 $0x0  }
0x16: {  	s3 =	sld [smem:$0x3FDB];
	s0 =	simm.s32 @p2 $0x1  }
0x17: {  	s4 =	simm.s32 $0x1BF5;
	[smem:$0x3FBA] =	sst s0  }
0x18: {  	s0 =	sld [smem:$0x3F9D];
	_ =	swait.ge [sflag:s4], $0x0  }
0x19: {  	s7 =	sld [smem:$0x3F9E]  }
0x1a: {  	s8 =	sadd.s32 $0xFFFFE003, lr  }
0x1b: {  	s9 =	sadd.s32 $0xFFFFFEF7, lr;
	s5 =	simm.s32 $0xFFFFFFFF;
	p2 =	slt.u32 s8, $0xFFFFF086  }
0x1c: {  	p1 =	slt.u32 s9, $0xF7A;
	s5 =	simm.s32 @!p2 $0x0  }
0x1d: {  	s5 =	simm.s32 @p1 $0x1;
	p0 =	seq.s32 s7, s2  }
0x1e: {  	s7 =	smul.u32 @!p0 $0xF7A, s2;
	p2 =	seq.s32 @!p0 s5, $0x0  }
0x1f: {  	s9 =	smul.u32 $0xF7A, s1;
	s8 =	simm.s32 @!p0 $0x1BF5;
	p2 =	por !p2, p0  }
0x20: {  	[sflag:s8] =	ssyncset.s32 @!p0 $0xFFFFF086;
	s6 =	sadd.s32 @!p0 s3, s7;
	s7 =	simm.s32 @!p0 $0x108  }
0x21: {  	s3 =	sadd.s32 s3, s9;
	s6 =	sadd.s32 @!p0 $0x88, s6;
	s7 =	simm.s32 @p2 $0x1082  }
0x22: {  	[simem:s7], [sflag:s8] =	dma.local @!p0 [hbm:s6], $0xF7A  }
0x23: {  	s9 =	sor.u32 $0xD0000000, s2;
	s6 =	simm.s32 $0x108;
	_ =	swait.ge @!p0 [sflag:s8], $0x0  }
0x24: {  	s3 =	sadd.s32 $0x88, s3;
	s6 =	simm.s32 @!p1 $0x1082;
	[sflag:s4] =	ssyncset.s32 $0xFFFFF086  }
0x25: {  	[simem:s6], [sflag:s4] =	dma.local [hbm:s3], $0xF7A  }
0x26: {  	[smem:$0x3F9E] =	sst s1;
	(tag) =	ssettag s2;
	_ =	strace s9  }
0x27: {  	s1 =	sld [smem:$0x3FAE]  }
0x28: {  	s2 =	sld [smem:$0x3FAF]  }
0x29: {  	s4 =	sld [smem:$0x3FB1]  }
0x2a: {  	p0 =	seq.s32 s5, $0x0;
	s5 =	sld [smem:$0x3FB2]  }
0x2b: {  	s6 =	sld [smem:$0x3FB3]  }
0x2c: {  	s7 =	sld [smem:$0x3FB4]  }
0x2d: {  	s3 =	simm.s32 $0x108;
	s8 =	sld [smem:$0x3FB5]  }
0x2e: {  	s3 =	simm.s32 @!p0 $0x1082;
	s9 =	sld [smem:$0x3FB6]  }
0x2f: {  	lr =	sadd.s32 s0, s3;
	s0 =	sld [smem:$0x3FAD]  }
0x30: {  	s3 =	sld [smem:$0x3FB0]  }
0x31: {  	[smem:$0x3FB9] =	sst s10  }
0x32: {  	s10 =	sld [smem:$0x3FB7];
	_ =	sdelay $0x3  }
0x33: {  	p0 =	seq.s32 s10, $0x1;
	s10 =	sld [smem:$0x3FB9];
	_ =	sdelay $0x3  }
0x34: {  	[smem:$0x3FB9] =	sst s10  }
0x35: {  	s10 =	sld [smem:$0x3FB8];
	_ =	sdelay $0x3  }
0x36: {  	p1 =	seq.s32 s10, $0x1;
	s10 =	sld [smem:$0x3FB9];
	_ =	sdelay $0x3  }
0x37: {  	[smem:$0x3FB9] =	sst s10  }
0x38: {  	s10 =	sld [smem:$0x3FBA]  }
0x39: {  	_ = 	snop;
	(pc) =	sbr.ind lr, $3  }
0x3a: {  	_ = 	snop  }
0x3b: {  	_ = 	snop  }
0x3c: {  	p2 =	seq.s32 s10, $0x1;
	s10 =	sld [smem:$0x3FB9]  }
0x3d: {  	_ =	shalt  }
0x3e: {  	_ =	shalt  }
0x3f: {  	_ =	shalt  }
0x40: {  	_ =	shalt  }
0x41: {  	_ =	shalt  }
0x42: {  	_ =	shalt  }
0x43: {  	_ =	shalt  }
0x44: {  	_ =	shalt  }
0x45: {  	_ =	shalt  }
0x46: {  	_ =	shalt  }
0x47: {  	_ =	shalt  }
0x48: {  	_ =	shalt  }
0x49: {  	_ =	shalt  }
0x4a: {  	_ =	shalt  }
0x4b: {  	_ =	shalt  }
0x4c: {  	_ =	shalt  }
0x4d: {  	_ =	shalt  }
0x4e: {  	_ =	shalt  }
0x4f: {  	_ =	shalt  }
0x50: {  	_ =	shalt  }
0x51: {  	_ =	shalt  }
0x52: {  	_ =	shalt  }
0x53: {  	_ =	shalt  }
0x54: {  	_ =	shalt  }
0x55: {  	_ =	shalt  }
0x56: {  	_ =	shalt  }
0x57: {  	_ =	shalt  }
0x58: {  	_ =	shalt  }
0x59: {  	_ =	shalt  }
0x5a: {  	_ =	shalt  }
0x5b: {  	_ =	shalt  }
0x5c: {  	_ =	shalt  }
0x5d: {  	_ =	shalt  }
0x5e: {  	_ =	shalt  }
0x5f: {  	_ =	shalt  }
0x60: {  	_ =	shalt  }
0x61: {  	_ =	shalt  }
0x62: {  	_ =	shalt  }
0x63: {  	_ =	shalt  }
0x64: {  	_ =	shalt  }
0x65: {  	_ =	shalt  }
0x66: {  	_ =	shalt  }
0x67: {  	_ =	shalt  }
0x68: {  	_ =	shalt  }
0x69: {  	_ =	shalt  }
0x6a: {  	_ =	shalt  }
0x6b: {  	_ =	shalt  }
0x6c: {  	_ =	shalt  }
0x6d: {  	_ =	shalt  }
0x6e: {  	_ =	shalt  }
0x6f: {  	_ =	shalt  }
0x70: {  	_ =	shalt  }
0x71: {  	_ =	shalt  }
0x72: {  	_ =	shalt  }
0x73: {  	_ =	shalt  }
0x74: {  	_ =	shalt  }
0x75: {  	_ =	shalt  }
0x76: {  	_ =	shalt  }
0x77: {  	_ =	shalt  }
0x78: {  	_ =	shalt  }
0x79: {  	_ =	shalt  }
0x7a: {  	_ =	shalt  }
0x7b: {  	_ =	shalt  }
0x7c: {  	_ =	shalt  }
0x7d: {  	_ =	shalt  }
0x7e: {  	_ =	shalt  }
0x7f: {  	_ =	shalt  }
0x80: {  	_ =	shalt  }
0x81: {  	_ =	shalt  }
0x82: {  	_ =	shalt  }
0x83: {  	_ =	shalt  }
0x84: {  	_ =	shalt  }
0x85: {  	_ =	shalt  }
0x86: {  	_ =	shalt  }
0x87: {  	_ =	shalt  }
.Lfunc_end0:
.L_simem_size_0:
called_computation_lowered:
.L_overlay_start_0:
0x88: {  	s2 =	sld [smem:$0x3FD9]  }
0x89: {  	s3 =	sld [smem:$0x3FFE];
	_ =	sdelay $0x1  }
0x8a: {  	s1 =	srdreg.scid  }
0x8b: {  	s0 =	sand.u32 $0x1, s1  }
0x8c: {  	s17 =	sshll.u32 s0, $0xA;
	s2 =	sadd.s32 s3, s2  }
0x8d: {  	s2 =	sadd.s32 s2, s17  }
0x8e: {  	[smem:$0x3FC5] =	sst s2  }
0x8f: {  	_ = 	snop  }
0x90: {  	s2 =	sld [smem:$0x3FC7];
	(tm) =	ssettm $0x1  }
0x91: {  	s18 =	sld [smem:$0x3FFB];
	_ =	sdelay $0x3  }
0x92: {  	_ =	strace s18  }
0x93: {  	s3 =	sld [smem:$0x3FFC];
	_ =	sdelay $0x3  }
0x94: {  	_ =	strace s3  }
0x95: {  	s3 =	sld [smem:$0x3FFD];
	_ =	sdelay $0x3  }
0x96: {  	_ =	strace s3  }
0x97: {  	_ =	strace $0x8FFFFFFF  }
0x98: {  	s19 =	sld [smem:$0x3FDB];
	_ =	sdelay $0x1  }
0x99: {  	s4 =	simm.s32 $_scs_section_size  }
0x9a: {  	s5 =	simm.s32 $_size__tile_overlayer_lowered;
	s6 =	simm.s32 $_tile_overlayer_lowered  }
0x9b: {  	s22 =	simm.s32 $0x1BFF;
	s21 =	sshll.u32 s6, $0x1;
	s3 =	sadd.s32 s4, s19  }
0x9c: {  	s7 =	simm.s32 $0x0;
	s20 =	sshll.u32 s5, $0x1;
	s5 =	sadd.s32 s21, s3  }
0x9d: {  	[timem:s7], [sflag:s22] =	dma.local [hbm:s5], s20  }
0x9e: {  	_ =	swait.ge [sflag:s22], s20  }
0x9f: {  	s4 =	ssub.s32 $0x0, s20;
	[sflag:s22] =	ssyncset.done $0x0  }
0xa0: {  	[sflag:s22] =	ssyncadd.s32 s4;
	_ =	sdelay $0x1  }
0xa1: {  	s23 =	simm.s32 $0x1B8B  }
0xa2: {  	_ =	swait.ge [sflag:s23], $0x1  }
0xa3: {  	[sflag:s23] =	ssyncset.done $0x0  }
0xa4: {  	s25 =	simm.s32 $0x1B8E;
	s24 =	sld [smem:$0x3FFE];
	[sflag:s23] =	ssyncadd.s32 $0xFFFFFFFF  }
0xa5: {  	s26 =	simm.s32 $execute0_lowered;
	[smem:$0x3FD2] =	sst s25  }
0xa6: {  	s5 =	sshll.u32 s26, $0x1;
	_ =	strace $0x80000046;
	[dreg:$0x1] =	wrdreg $0xFFFFFFFF  }
0xa7: {  	s28 =	simm.s32 $_size_execute0_lowered;
	s3 =	sadd.s32 s3, s5;
	[dreg:$0x0] =	wrdreg $0x0  }
0xa8: {  	s5 =	sshll.u32 s28, $0x1;
	[dreg:$0x2] =	wrdreg s3  }
0xa9: {  	[dreg:$0x3] =	wrdreg s5  }
0xaa: {  	[dreg:$0x4] =	wrdreg $0xC0  }
0xab: {  	_ =	task [dreg:s7], $0x5FFFF  }
0xac: {  	[dreg:$0x1] =	wrdreg $0xFFFFFFFF  }
0xad: {  	[dreg:$0x0] =	wrdreg $0x60  }
0xae: {  	[dreg:$0x2] =	wrdreg s2  }
0xaf: {  	[dreg:$0x3] =	wrdreg s24  }
0xb0: {  	[dreg:$0x4] =	wrdreg $0x9  }
0xb1: {  	_ =	task.clear_ibuf [dreg:s7], $0x5FFFF;
	_ =	strace $0x90000046  }
0xb2: {  	s29 =	simm.s32 $0x9;
	_ =	strace $0x80000048  }
0xb3: {  	_ =	swait.ge [sflag:s29], $0x1  }
0xb4: {  	[sflag:s29] =	ssyncadd.s32 $0xFFFFFFFF  }
0xb5: {  	_ =	strace $0x90000048  }
0xb6: {  	_ =	sfence  }
0xb7: {  	s30 =	sld [smem:$0x0];
	_ =	sdelay $0x2  }
0xb8: {  	s31 =	sshll.u32 s1, $0xD;
	s1 =	sshrl.u32 s1, $0x2  }
0xb9: {  	s3 =	sand.u32 $0x4000, s31;
	s1 =	sadd.s32 s1, s30  }
0xba: {  	s0 =	sor.u32 s3, s0;
	s1 =	sshll.u32 s1, $0x11  }
0xbb: {  	s0 =	sor.u32 s1, s0  }
0xbc: {  	s0 =	sadd.s32 $0x8F2B, s0  }
0xbd: {  	[sflag:s0] =	ssyncadd.remote.s32 $0x1  }
0xbe: {  	_ =	sfence.sel $0xFFFF  }
0xbf: {  	[dreg:$0x0] =	wrdreg $0xFFFFFFFF;
	(pc) =	sbr.abs _section_cstart, $3  }
0xc0: {  	[dreg:$0x1] =	wrdreg $0xFFFFFFFF  }
0xc1: {  	_ =	task.clear_ibuf [dreg:s7], $0x2FFFF;
	_ =	strace $0x9FFFFFFF  }
0xc2: {  	(tm) =	ssettm $0x7FFFFFFF  }
0xc3: {  	_ =	shalt  }
tec
execute0_lowered:
.L_overlay_start_1:
0x0: {  	(tag) =	ssettag $0x1  }
0x1: {  	s0 =	srdreg.scid  }
0x2: {  	s3 =	sand.u32 $0x1, s0  }
0x3: {  	s4 =	rddreg [dreg:$0x0];
	s0 =	stileid.u32;
	s1 =	sshll.u32 s3, $0x4  }
0x4: {  	s5 =	rddreg [dreg:$0x1];
	s2 =	simm.s32 $0x0;
	s7 =	sor.u32 s0, s1  }
0x5: {  	s9 =	simm.s32 $0x0;
	[smem:$0x7FF] =	sst s2;
	s6 =	smul.u32 $0x38, s7  }
.Ltmp0:
0x6: {  	s3 =	ssub.s32 $0x2, s3;
	s1 =	rddreg [dreg:$0x2];
	(pc) =	sbr.rel .LBB2_1-.Ltmp0, $4  }
0x7: {  	_ =	strace $0x80000047;
	s31 =	sshrl.u32 s3, $0x1;
	s8 =	smul.u32 $0xF40, s7  }
0x8: {  	p0 =	sne.s32 s7, $0x1F;
	s7 =	simm.s32 $0x1;
	s5 =	sadd.s32 s6, s5  }
0x9: {  	s6 =	ssub.s32 s3, s31;
	s3 =	sadd.s32 s4, s8;
	s4 =	sadd.s32 $0x1E800, s4  }
0xa: {  	v0 =	vimm.s32 $0x0;
	v1 =	vimm.s32 $0x1;
	s8 =	simm.s32 $0x7C80;
	s5 =	sadd.s32 $0xA00, s5;
	s6 =	smax.u32 s6, $0x1  }
.LBB2_6:
0xb: {  	v2 =	vld [tilespmem:s11+$0x7A00];
	_ =	sdelay $0x4  }
0xc: {  	v2 =	vadd.s32 $0x150, v2;
	_ =	sdelay $0x4  }
0xd: {  	[tilespmem:v2+s8+$0x0] =	vst.idx.add.s32.msk $0xffff, v1  }
.LBB2_7:
0xe: {  	s9 =	sadd.s32 $0x1, s9  }
0xf: {  	p1 =	sne.s32 s9, s6  }
.Ltmp1:
0x10: {  	_ = 	snop;
	(pc) =	sbr.rel @!p1 .LBB2_8-.Ltmp1, $4  }
0x11: {  	[hbm4b:s5+s2] =	stream.linear.scatter [tilespmem:s8], [sflag:$0x1], $0x1C0, $0x38;
	[tilespmem:$0x7E80] =	vst v63  }
0x12: {  	_ =	swait.ge [sflag:s7], $0x1C0  }
0x13: {  	[sflag:s7] =	ssyncset.done $0x0  }
0x14: {  	[sflag:s7] =	ssyncadd.s32 $0xFFFFFE40  }
.LBB2_1:
0x15: {  	[tilespmem:s2], [sflag:$0x1] =	stream.linear.gather [hbm4b:s3+s2], $0x7A00, $0x38;
	[tilespmem:$0x7E80] =	vst v63  }
0x16: {  	_ =	swait.ge [sflag:s7], $0x7A00  }
0x17: {  	[sflag:s7] =	ssyncset.done $0x0  }
0x18: {  	s10 =	simm.s32 @!p0 $0x0;
	s11 =	simm.s32 @!p0 $0x7A00;
	[sflag:s7] =	ssyncadd.s32 $0xFFFF8600  }
0x19: {  	[tilespmem:s11], [sflag:$0x1] =	stream.linear.gather @!p0 [hbm4b:s4+s10], $0x240, $0x38;
	[tilespmem:$0x7E80] =	vst v63  }
0x1a: {  	s10 =	simm.s32 @!p0 $0x1  }
0x1b: {  	_ =	swait.ge @!p0 [sflag:s10], $0x240  }
0x1c: {  	[sflag:s10] =	ssyncset.done @!p0 $0x0  }
0x1d: {  	[sflag:s10] =	ssyncadd.s32 @!p0 $0xFFFFFDC0  }
0x1e: {  	[tilespmem:$0x7C80] =	vst v0  }
0x1f: {  	[tilespmem:$0x7C90] =	vst v0  }
0x20: {  	[tilespmem:$0x7CA0] =	vst v0  }
0x21: {  	[tilespmem:$0x7CB0] =	vst v0  }
0x22: {  	[tilespmem:$0x7CC0] =	vst v0  }
0x23: {  	[tilespmem:$0x7CD0] =	vst v0  }
0x24: {  	[tilespmem:$0x7CE0] =	vst v0  }
0x25: {  	[tilespmem:$0x7CF0] =	vst v0  }
0x26: {  	[tilespmem:$0x7D00] =	vst v0  }
0x27: {  	[tilespmem:$0x7D10] =	vst v0  }
0x28: {  	[tilespmem:$0x7D20] =	vst v0  }
0x29: {  	[tilespmem:$0x7D30] =	vst v0  }
0x2a: {  	[tilespmem:$0x7D40] =	vst v0  }
0x2b: {  	[tilespmem:$0x7D50] =	vst v0  }
0x2c: {  	[tilespmem:$0x7D60] =	vst v0  }
0x2d: {  	[tilespmem:$0x7D70] =	vst v0  }
0x2e: {  	[tilespmem:$0x7D80] =	vst v0  }
0x2f: {  	[tilespmem:$0x7D90] =	vst v0  }
0x30: {  	[tilespmem:$0x7DA0] =	vst v0  }
0x31: {  	[tilespmem:$0x7DB0] =	vst v0  }
0x32: {  	[tilespmem:$0x7DC0] =	vst v0  }
0x33: {  	[tilespmem:$0x7DD0] =	vst v0  }
0x34: {  	[tilespmem:$0x7DE0] =	vst v0  }
0x35: {  	[tilespmem:$0x7DF0] =	vst v0  }
0x36: {  	[tilespmem:$0x7E00] =	vst v0  }
0x37: {  	[tilespmem:$0x7E10] =	vst v0  }
0x38: {  	[tilespmem:$0x7E20] =	vst v0  }
0x39: {  	[tilespmem:$0x7E30] =	vst v0  }
0x3a: {  	s31 =	sand.u32 $0x1FF0, s2;
	v3 =	vld [tilespmem:s2+$0x0]  }
0x3b: {  	v2 =	vld [tilespmem:s31+$0x5B80];
	_ =	sdelay $0x1  }
0x3c: {  	v5 =	vld [tilespmem:s31+$0x1E80];
	_ =	sdelay $0x1  }
0x3d: {  	v4 =	vld [tilespmem:s31+$0x3D00]  }
0x3e: {  	v2 =	vadd.s32 $0x150, v2;
	_ =	sdelay $0x1  }
0x3f: {  	s11 =	simm.s32 $0x0;
	s10 =	simm.s32 $0x10;
	[tilespmem:v3+s8+$0x0] =	vst.idx.add.s32.msk $0xffff, v1;
	v3 =	vadd.s32 $0x70, v5  }
.LBB2_2:
0x40: {  	p1 =	sne.s32 s10, $0x1E70  }
0x41: {  	v4 =	vadd.s32 $0xE0, v4;
	s11 =	sadd.s32 $0x10, s11;
	s12 =	smov.u32 s10;
	s10 =	sadd.s32 $0x10, s10  }
0x42: {  	s12 =	sand.u32 $0x1FF0, s12;
	[tilespmem:v2+s8+$0x0] =	vst.idx.add.s32.msk $0xffff, v1  }
0x43: {  	v2 =	vld [tilespmem:s12+$0x5B80]  }
0x44: {  	v5 =	vld [tilespmem:s11+$0x0]  }
0x45: {  	[tilespmem:v3+s8+$0x0] =	vst.idx.add.s32.msk $0xffff, v1  }
0x46: {  	[tilespmem:v4+s8+$0x0] =	vst.idx.add.s32.msk $0xffff, v1  }
0x47: {  	v3 =	vld [tilespmem:s12+$0x1E80]  }
.Ltmp2:
0x48: {  	v4 =	vld [tilespmem:s12+$0x3D00];
	v2 =	vadd.s32 $0x150, v2;
	(pc) =	sbr.rel @p1 .LBB2_2-.Ltmp2, $2  }
0x49: {  	_ =	sdelay $0x2  }
0x4a: {  	[tilespmem:v5+s8+$0x0] =	vst.idx.add.s32.msk $0xffff, v1;
	v3 =	vadd.s32 $0x70, v3  }
0x4b: {  	_ = 	snop  }
0x4c: {  	v4 =	vadd.s32 $0xE0, v4  }
.Ltmp3:
0x4d: {  	_ = 	snop;
	(pc) =	sbr.rel @p0 .LBB2_7-.Ltmp3, $4  }
0x4e: {  	_ = 	snop  }
0x4f: {  	[tilespmem:v2+s8+$0x0] =	vst.idx.add.s32.msk $0xffff, v1  }
0x50: {  	[tilespmem:v3+s8+$0x0] =	vst.idx.add.s32.msk $0xffff, v1  }
0x51: {  	s10 =	simm.s32 $0x0;
	[tilespmem:v4+s8+$0x0] =	vst.idx.add.s32.msk $0xffff, v1  }
0x52: {  	s11 =	sshra.s32 s10, $0x2;
	s10 =	sadd.s32 $0x40, s10  }
.LBB2_5:
0x53: {  	p1 =	sne.s32 s10, $0x8C0;
	v2 =	vld [tilespmem:s11+$0x7A00];
	_ =	sdelay $0x4  }
0x54: {  	v2 =	vadd.s32 $0x150, v2  }
.Ltmp4:
0x55: {  	(pc) =	sbr.rel @p1 .LBB2_5-.Ltmp4, $2  }
0x56: {  	_ =	sdelay $0x2  }
0x57: {  	s11 =	sshra.s32 s10, $0x2;
	s10 =	sadd.s32 $0x40, s10;
	[tilespmem:v2+s8+$0x0] =	vst.idx.add.s32.msk $0xffff, v1  }
.Ltmp5:
0x58: {  	_ = 	snop;
	(pc) =	sbr.rel .LBB2_6-.Ltmp5, $1  }
0x59: {  	_ =	sdelay $0x3  }
.LBB2_8:
0x5a: {  	_ =	sfence.sel $0x180000  }
0x5b: {  	[bflag:$0x0] =	sbarrier.arrive $0xFFFF  }
0x5c: {  	p0 =	sne.s32 s0, $0x0;
	_ =	strace $0x90000047  }
0x5d: {  	s0 =	sadd.s32 @!p0 $0x100000, s1;
	[bflag:$0x2] =	sbarrier.arrive $0xFFFF  }
0x5e: {  	[sflag:s0] =	ssyncadd.tile.s32 @!p0 $0x1;
	_ =	shalt  }
.Lfunc_end2:
_tile_overlayer_lowered:
.L_overlay_start_2:
0x5f: {  	(tag) =	ssettag $0x2  }
0x60: {  	s0 =	rddreg [dreg:$0x0];
	s2 =	stileid.u32  }
0x61: {  	s1 =	rddreg [dreg:$0x1];
	p0 =	sne.s32 s2, $0x0  }
0x62: {  	s3 =	rddreg [dreg:$0x2];
	[bflag:$0x3] =	sbarrier.arrive $0xFFFF;
	s2 =	simm.s32 @!p0 $0x1C01  }
0x63: {  	[timem:s3], [sflag:s2] =	dma.local @!p0 [hbm:s0], s1  }
0x64: {  	s0 =	simm.s32 @!p0 $0x1  }
0x65: {  	_ =	swait.ge @!p0 [sflag:s0], s1  }
0x66: {  	s1 =	ssub.s32 @!p0 $0x0, s1;
	[sflag:s0] =	ssyncset.done @!p0 $0x0  }
0x67: {  	[sflag:s0] =	ssyncadd.s32 @!p0 s1  }
0x68: {  	[bflag:$0x3] =	sbarrier.arrive $0xFFFF  }
0x69: {  	_ =	shalt  }

// kernel: kernel.8.cloned.1.call-start
scs
__scs_entry_jumppad:
0x0: {  	(pc) =	sbr.rel $0x88, $3  }
0x1: {  	(tag) =	ssettag $0x0;
	lr =	simm.s32 $0x1  }
0x2: {  	[smem:$0x3F9E] =	sst lr;
	_ =	strace $0xD0000000  }
0x3: {  	_ = 	snop  }
0x4: {  	_ = 	snop  }
0x5: {  	_ = 	snop  }
0x6: {  	_ = 	snop  }
0x7: {  	_ = 	snop  }
__scs_overlays_trampoline_lowered:
0x8: {  	[smem:$0x3FAD] =	sst s0  }
0x9: {  	[smem:$0x3FAE] =	sst s1  }
0xa: {  	[smem:$0x3FAF] =	sst s2  }
0xb: {  	[smem:$0x3FB0] =	sst s3  }
0xc: {  	[smem:$0x3FB1] =	sst s4  }
0xd: {  	[smem:$0x3FB2] =	sst s5  }
0xe: {  	[smem:$0x3FB3] =	sst s6  }
0xf: {  	[smem:$0x3FB4] =	sst s7  }
0x10: {  	[smem:$0x3FB5] =	sst s8  }
0x11: {  	[smem:$0x3FB6] =	sst s9;
	s0 =	simm.s32 @!p0 $0x0  }
0x12: {  	s1 =	sld [smem:$0x3F9C];
	s0 =	simm.s32 @p0 $0x1  }
0x13: {  	[smem:$0x3FB7] =	sst s0;
	s0 =	simm.s32 @!p1 $0x0  }
0x14: {  	s2 =	sld [smem:$0x3F9B];
	s0 =	simm.s32 @p1 $0x1  }
0x15: {  	[smem:$0x3FB8] =	sst s0;
	s0 =	simm.s32 @!p2 $0x0  }
0x16: {  	s3 =	sld [smem:$0x3FDB];
	s0 =	simm.s32 @p2 $0x1  }
0x17: {  	s4 =	simm.s32 $0x1BF5;
	[smem:$0x3FBA] =	sst s0  }
0x18: {  	s0 =	sld [smem:$0x3F9D];
	_ =	swait.ge [sflag:s4], $0x0  }
0x19: {  	s7 =	sld [smem:$0x3F9E]  }
0x1a: {  	s8 =	sadd.s32 $0xFFFFE003, lr  }
0x1b: {  	s9 =	sadd.s32 $0xFFFFFEF7, lr;
	s5 =	simm.s32 $0xFFFFFFFF;
	p2 =	slt.u32 s8, $0xFFFFF086  }
0x1c: {  	p1 =	slt.u32 s9, $0xF7A;
	s5 =	simm.s32 @!p2 $0x0  }
0x1d: {  	s5 =	simm.s32 @p1 $0x1;
	p0 =	seq.s32 s7, s2  }
0x1e: {  	s7 =	smul.u32 @!p0 $0xF7A, s2;
	p2 =	seq.s32 @!p0 s5, $0x0  }
0x1f: {  	s9 =	smul.u32 $0xF7A, s1;
	s8 =	simm.s32 @!p0 $0x1BF5;
	p2 =	por !p2, p0  }
0x20: {  	[sflag:s8] =	ssyncset.s32 @!p0 $0xFFFFF086;
	s6 =	sadd.s32 @!p0 s3, s7;
	s7 =	simm.s32 @!p0 $0x108  }
0x21: {  	s3 =	sadd.s32 s3, s9;
	s6 =	sadd.s32 @!p0 $0x88, s6;
	s7 =	simm.s32 @p2 $0x1082  }
0x22: {  	[simem:s7], [sflag:s8] =	dma.local @!p0 [hbm:s6], $0xF7A  }
0x23: {  	s9 =	sor.u32 $0xD0000000, s2;
	s6 =	simm.s32 $0x108;
	_ =	swait.ge @!p0 [sflag:s8], $0x0  }
0x24: {  	s3 =	sadd.s32 $0x88, s3;
	s6 =	simm.s32 @!p1 $0x1082;
	[sflag:s4] =	ssyncset.s32 $0xFFFFF086  }
0x25: {  	[simem:s6], [sflag:s4] =	dma.local [hbm:s3], $0xF7A  }
0x26: {  	[smem:$0x3F9E] =	sst s1;
	(tag) =	ssettag s2;
	_ =	strace s9  }
0x27: {  	s1 =	sld [smem:$0x3FAE]  }
0x28: {  	s2 =	sld [smem:$0x3FAF]  }
0x29: {  	s4 =	sld [smem:$0x3FB1]  }
0x2a: {  	p0 =	seq.s32 s5, $0x0;
	s5 =	sld [smem:$0x3FB2]  }
0x2b: {  	s6 =	sld [smem:$0x3FB3]  }
0x2c: {  	s7 =	sld [smem:$0x3FB4]  }
0x2d: {  	s3 =	simm.s32 $0x108;
	s8 =	sld [smem:$0x3FB5]  }
0x2e: {  	s3 =	simm.s32 @!p0 $0x1082;
	s9 =	sld [smem:$0x3FB6]  }
0x2f: {  	lr =	sadd.s32 s0, s3;
	s0 =	sld [smem:$0x3FAD]  }
0x30: {  	s3 =	sld [smem:$0x3FB0]  }
0x31: {  	[smem:$0x3FB9] =	sst s10  }
0x32: {  	s10 =	sld [smem:$0x3FB7];
	_ =	sdelay $0x3  }
0x33: {  	p0 =	seq.s32 s10, $0x1;
	s10 =	sld [smem:$0x3FB9];
	_ =	sdelay $0x3  }
0x34: {  	[smem:$0x3FB9] =	sst s10  }
0x35: {  	s10 =	sld [smem:$0x3FB8];
	_ =	sdelay $0x3  }
0x36: {  	p1 =	seq.s32 s10, $0x1;
	s10 =	sld [smem:$0x3FB9];
	_ =	sdelay $0x3  }
0x37: {  	[smem:$0x3FB9] =	sst s10  }
0x38: {  	s10 =	sld [smem:$0x3FBA]  }
0x39: {  	_ = 	snop;
	(pc) =	sbr.ind lr, $3  }
0x3a: {  	_ = 	snop  }
0x3b: {  	_ = 	snop  }
0x3c: {  	p2 =	seq.s32 s10, $0x1;
	s10 =	sld [smem:$0x3FB9]  }
0x3d: {  	_ =	shalt  }
0x3e: {  	_ =	shalt  }
0x3f: {  	_ =	shalt  }
0x40: {  	_ =	shalt  }
0x41: {  	_ =	shalt  }
0x42: {  	_ =	shalt  }
0x43: {  	_ =	shalt  }
0x44: {  	_ =	shalt  }
0x45: {  	_ =	shalt  }
0x46: {  	_ =	shalt  }
0x47: {  	_ =	shalt  }
0x48: {  	_ =	shalt  }
0x49: {  	_ =	shalt  }
0x4a: {  	_ =	shalt  }
0x4b: {  	_ =	shalt  }
0x4c: {  	_ =	shalt  }
0x4d: {  	_ =	shalt  }
0x4e: {  	_ =	shalt  }
0x4f: {  	_ =	shalt  }
0x50: {  	_ =	shalt  }
0x51: {  	_ =	shalt  }
0x52: {  	_ =	shalt  }
0x53: {  	_ =	shalt  }
0x54: {  	_ =	shalt  }
0x55: {  	_ =	shalt  }
0x56: {  	_ =	shalt  }
0x57: {  	_ =	shalt  }
0x58: {  	_ =	shalt  }
0x59: {  	_ =	shalt  }
0x5a: {  	_ =	shalt  }
0x5b: {  	_ =	shalt  }
0x5c: {  	_ =	shalt  }
0x5d: {  	_ =	shalt  }
0x5e: {  	_ =	shalt  }
0x5f: {  	_ =	shalt  }
0x60: {  	_ =	shalt  }
0x61: {  	_ =	shalt  }
0x62: {  	_ =	shalt  }
0x63: {  	_ =	shalt  }
0x64: {  	_ =	shalt  }
0x65: {  	_ =	shalt  }
0x66: {  	_ =	shalt  }
0x67: {  	_ =	shalt  }
0x68: {  	_ =	shalt  }
0x69: {  	_ =	shalt  }
0x6a: {  	_ =	shalt  }
0x6b: {  	_ =	shalt  }
0x6c: {  	_ =	shalt  }
0x6d: {  	_ =	shalt  }
0x6e: {  	_ =	shalt  }
0x6f: {  	_ =	shalt  }
0x70: {  	_ =	shalt  }
0x71: {  	_ =	shalt  }
0x72: {  	_ =	shalt  }
0x73: {  	_ =	shalt  }
0x74: {  	_ =	shalt  }
0x75: {  	_ =	shalt  }
0x76: {  	_ =	shalt  }
0x77: {  	_ =	shalt  }
0x78: {  	_ =	shalt  }
0x79: {  	_ =	shalt  }
0x7a: {  	_ =	shalt  }
0x7b: {  	_ =	shalt  }
0x7c: {  	_ =	shalt  }
0x7d: {  	_ =	shalt  }
0x7e: {  	_ =	shalt  }
0x7f: {  	_ =	shalt  }
0x80: {  	_ =	shalt  }
0x81: {  	_ =	shalt  }
0x82: {  	_ =	shalt  }
0x83: {  	_ =	shalt  }
0x84: {  	_ =	shalt  }
0x85: {  	_ =	shalt  }
0x86: {  	_ =	shalt  }
0x87: {  	_ =	shalt  }
.Lfunc_end0:
.L_simem_size_0:
called_computation.1_lowered:
.L_overlay_start_0:
0x88: {  	s2 =	sld [smem:$0x3FD9]  }
0x89: {  	s3 =	sld [smem:$0x3FFE];
	_ =	sdelay $0x1  }
0x8a: {  	s1 =	srdreg.scid  }
0x8b: {  	s0 =	sand.u32 $0x1, s1  }
0x8c: {  	s17 =	sshll.u32 s0, $0xA;
	s2 =	sadd.s32 s3, s2  }
0x8d: {  	s2 =	sadd.s32 s2, s17  }
0x8e: {  	[smem:$0x3FC5] =	sst s2  }
0x8f: {  	_ = 	snop  }
0x90: {  	s2 =	sld [smem:$0x3FC9]  }
0x91: {  	s18 =	sld [smem:$0x3FC8]  }
0x92: {  	s4 =	sld [smem:$0x3FC7];
	(tm) =	ssettm $0x1  }
0x93: {  	s5 =	sld [smem:$0x3FFB];
	_ =	sdelay $0x3  }
0x94: {  	_ =	strace s5  }
0x95: {  	s5 =	sld [smem:$0x3FFC];
	_ =	sdelay $0x3  }
0x96: {  	_ =	strace s5  }
0x97: {  	s5 =	sld [smem:$0x3FFD];
	_ =	sdelay $0x3  }
0x98: {  	_ =	strace s5  }
0x99: {  	_ =	strace $0x8FFFFFFF  }
0x9a: {  	s19 =	sld [smem:$0x3FDB];
	_ =	sdelay $0x1  }
0x9b: {  	s6 =	simm.s32 $_scs_section_size  }
0x9c: {  	s7 =	simm.s32 $_size__tile_overlayer_lowered;
	s8 =	simm.s32 $_tile_overlayer_lowered  }
0x9d: {  	s22 =	simm.s32 $0x1BFF;
	s21 =	sshll.u32 s8, $0x1;
	s5 =	sadd.s32 s6, s19  }
0x9e: {  	s9 =	simm.s32 $0x0;
	s20 =	sshll.u32 s7, $0x1;
	s7 =	sadd.s32 s21, s5  }
0x9f: {  	[timem:s9], [sflag:s22] =	dma.local [hbm:s7], s20  }
0xa0: {  	_ =	swait.ge [sflag:s22], s20  }
0xa1: {  	s6 =	ssub.s32 $0x0, s20;
	[sflag:s22] =	ssyncset.done $0x0  }
0xa2: {  	[sflag:s22] =	ssyncadd.s32 s6;
	_ =	sdelay $0x1  }
0xa3: {  	s23 =	simm.s32 $0x1B8B  }
0xa4: {  	_ =	swait.ge [sflag:s23], $0x1  }
0xa5: {  	[sflag:s23] =	ssyncset.done $0x0  }
0xa6: {  	s25 =	simm.s32 $0x1B8E;
	s24 =	sld [smem:$0x3FFE];
	[sflag:s23] =	ssyncadd.s32 $0xFFFFFFFF  }
0xa7: {  	s26 =	simm.s32 $execute0_lowered;
	[smem:$0x3FD2] =	sst s25  }
0xa8: {  	s7 =	sshll.u32 s26, $0x1;
	_ =	strace $0x80000049;
	[dreg:$0x1] =	wrdreg $0xFFFFFFFF  }
0xa9: {  	s28 =	simm.s32 $_size_execute0_lowered;
	s5 =	sadd.s32 s5, s7;
	[dreg:$0x0] =	wrdreg $0x0  }
0xaa: {  	s7 =	sshll.u32 s28, $0x1;
	[dreg:$0x2] =	wrdreg s5  }
0xab: {  	[dreg:$0x3] =	wrdreg s7  }
0xac: {  	[dreg:$0x4] =	wrdreg $0xC0  }
0xad: {  	_ =	task [dreg:s9], $0x5FFFF  }
0xae: {  	[dreg:$0x1] =	wrdreg $0xFFFFFFFF  }
0xaf: {  	[dreg:$0x0] =	wrdreg $0x60  }
0xb0: {  	[dreg:$0x2] =	wrdreg s2  }
0xb1: {  	[dreg:$0x3] =	wrdreg s18  }
0xb2: {  	[dreg:$0x4] =	wrdreg s4  }
0xb3: {  	[dreg:$0x5] =	wrdreg s24  }
0xb4: {  	[dreg:$0x6] =	wrdreg $0x9  }
0xb5: {  	_ =	task.clear_ibuf [dreg:s9], $0x7FFFF;
	_ =	strace $0x90000049  }
0xb6: {  	s29 =	simm.s32 $0x9;
	_ =	strace $0x8000004B  }
0xb7: {  	_ =	swait.ge [sflag:s29], $0x1  }
0xb8: {  	[sflag:s29] =	ssyncadd.s32 $0xFFFFFFFF  }
0xb9: {  	_ =	strace $0x9000004B  }
0xba: {  	_ =	sfence  }
0xbb: {  	s30 =	sld [smem:$0x0];
	_ =	sdelay $0x2  }
0xbc: {  	s31 =	sshll.u32 s1, $0xD;
	s1 =	sshrl.u32 s1, $0x2  }
0xbd: {  	s3 =	sand.u32 $0x4000, s31;
	s1 =	sadd.s32 s1, s30  }
0xbe: {  	s0 =	sor.u32 s3, s0;
	s1 =	sshll.u32 s1, $0x11  }
0xbf: {  	s0 =	sor.u32 s1, s0  }
0xc0: {  	s0 =	sadd.s32 $0x8F2B, s0  }
0xc1: {  	[sflag:s0] =	ssyncadd.remote.s32 $0x1  }
0xc2: {  	_ =	sfence.sel $0xFFFF  }
0xc3: {  	[dreg:$0x0] =	wrdreg $0xFFFFFFFF;
	(pc) =	sbr.abs _section_cstart, $3  }
0xc4: {  	[dreg:$0x1] =	wrdreg $0xFFFFFFFF  }
0xc5: {  	_ =	task.clear_ibuf [dreg:s9], $0x2FFFF;
	_ =	strace $0x9FFFFFFF  }
0xc6: {  	(tm) =	ssettm $0x7FFFFFFF  }
0xc7: {  	_ =	shalt  }
tec
execute0_lowered:
.L_overlay_start_1:
0x0: {  	(tag) =	ssettag $0x1  }
0x1: {  	s8 =	rddreg [dreg:$0x0]  }
0x2: {  	s9 =	rddreg [dreg:$0x1]  }
0x3: {  	s7 =	rddreg [dreg:$0x2]  }
0x4: {  	s4 =	rddreg [dreg:$0x3];
	s1 =	srdreg.scid  }
0x5: {  	s2 =	simm.s32 $0x0;
	s16 =	simm.s32 $0x4;
	s17 =	simm.s32 $0x1  }
0x6: {  	s18 =	simm.s32 $0x2;
	s19 =	simm.s32 $0x3;
	s20 =	simm.s32 $0x1AD80  }
0x7: {  	s21 =	simm.s32 $0x1AF80;
	s22 =	simm.s32 $0x1B000;
	s23 =	simm.s32 $0x80  }
0x8: {  	s24 =	simm.s32 $0x400;
	s25 =	simm.s32 $0x0;
	s3 =	sand.u32 $0x1, s1  }
0x9: {  	[smem:$0x7FF] =	sst s2;
	s1 =	stileid.u32;
	s5 =	sshll.u32 s3, $0x4  }
0xa: {  	_ =	strace $0x8000004A;
	s6 =	sshll.u32 s1, $0x4;
	s29 =	ssub.s32 $0x2, s3  }
0xb: {  	s3 =	sadd.s32 $0xA00, s4;
	s14 =	sor.u32 s1, s5;
	s28 =	sand.u32 $0x70, s6  }
0xc: {  	s30 =	sshrl.u32 s29, $0x1;
	s10 =	smul.u32 $0xF40, s14;
	s12 =	sadd.s32 s28, s4  }
0xd: {  	s13 =	ssub.s32 s29, s30;
	s31 =	sshll.u32 s14, $0x8;
	s11 =	smul.u32 $0x1C0, s14  }
.Ltmp0:
0xe: {  	p0 =	sne.s32 s14, $0x1F;
	s15 =	sand.u32 $0x1800, s31;
	(pc) =	sbr.rel .LBB2_1-.Ltmp0, $4  }
0xf: {  	s13 =	smax.u32 s13, $0x1;
	s4 =	sadd.s32 s7, s10;
	s5 =	sadd.s32 s8, s10  }
0x10: {  	s6 =	sadd.s32 s9, s10;
	s7 =	sadd.s32 $0x1E800, s7;
	s8 =	sadd.s32 $0x1E800, s8  }
0x11: {  	s9 =	sadd.s32 $0x1E800, s9;
	s10 =	sshll.u32 s14, $0x2;
	s12 =	sadd.s32 s15, s12  }
0x12: {  	v0 =	vimm.s32 $0x0;
	v1 =	vimm.f32 $0.0e+00;
	v2 =	vimm.s32 $0x1;
	s14 =	simm.s32 $0x7A00;
	s15 =	simm.s32 $0xF400;
	s12 =	sadd.s32 $0x1200, s12  }
.LBB2_22:
0x13: {  	_ =	sdelay $0x3  }
0x14: {  	s0 =	sshra.s32 s26, $0x2;
	[tilespmem:v4+s22+$0x0] =	vst.idx.add.f32.msk $0xffff, v3  }
0x15: {  	v3 =	vld [tilespmem:s0+$0x16E00];
	_ =	sdelay $0x4  }
0x16: {  	(xrf1) =	vunique.msk.u32 $0xffff, v3;
	_ =	sdelay $0x4  }
0x17: {  	v62 =	vadd.s32 $0x150, v3;
	_ =	sdelay $0x4  }
0x18: {  	v5 =	vld.idx.msk [tilespmem:v62+s20+$0x0], $0xffff  }
0x19: {  	v6 =	vld [tilespmem:s0+$0x17300]  }
0x1a: {  	v7 =	vld [tilespmem:s0+$0x17080]  }
0x1b: {  	[tilespmem:v62+s20+$0x0] =	vst.idx.add.s32.msk $0xffff, v2  }
0x1c: {  	v4 =	vld.idx.msk [tilespmem:v3+s21+$0x0], $0xffff;
	_, v8, _ =	vpop (xrf1)  }
0x1d: {  	v5 =	vadd.s32 v5, v8  }
0x1e: {  	v5 =	vadd.s32 $0xFFFFFFFF, v5  }
0x1f: {  	v5 =	vcvt.s32.f32 v5;
	_ =	sdelay $0x1  }
0x20: {  	v4 =	vmul.f32 v5, v4;
	_ =	sdelay $0x1  }
0x21: {  	v4 =	vtrunc.f32 v4  }
0x22: {  	v4 =	vcvt.f32.s32 v4;
	_ =	sdelay $0x1  }
0x23: {  	vm0 =	vgt.s32 v4, $0x0  }
0x24: {  	v4 =	vnsel vm0, $0x0, v4  }
0x25: {  	v4 =	vmin.u32 v4, $0xF  }
0x26: {  	v4 =	vshll.u32 v4, $0x7  }
0x27: {  	v3 =	vadd.s32 v3, v4;
	_ =	sdelay $0x2  }
0x28: {  	v63 =	vsub.f32 v7, v6;
	_ =	sdelay $0x1  }
0x29: {  	[tilespmem:v3+s22+$0x0] =	vst.idx.add.f32.msk $0xffff, v63  }
.LBB2_23:
0x2a: {  	s25 =	sadd.s32 $0x1, s25  }
0x2b: {  	p1 =	sne.s32 s25, s13  }
.Ltmp1:
0x2c: {  	_ = 	snop;
	(pc) =	sbr.rel @!p1 .LBB2_24-.Ltmp1, $4  }
0x2d: {  	[hbm4b:s12+s23] =	stream.strided.scatter [tilespmem:s22], [sflag:$0x4], $0x800, s24, s23, $0x38;
	[tilespmem:$0x1B800] =	vst v63  }
0x2e: {  	_ =	swait.ge [sflag:s16], $0x800  }
0x2f: {  	[sflag:s16] =	ssyncset.done $0x0  }
0x30: {  	[sflag:s16] =	ssyncadd.s32 $0xFFFFF800  }
.LBB2_1:
0x31: {  	[tilespmem:s2], [sflag:$0x1] =	stream.linear.gather [hbm4b:s4+s2], $0x7A00, $0x38;
	[tilespmem:$0x1B800] =	vst v63  }
0x32: {  	_ = 	snop  }
0x33: {  	[tilespmem:s14], [sflag:$0x2] =	stream.linear.gather [hbm4b:s5+s2], $0x7A00, $0x38;
	[tilespmem:$0x1B800] =	vst v63  }
0x34: {  	_ = 	snop  }
0x35: {  	[tilespmem:s15], [sflag:$0x3] =	stream.linear.gather [hbm4b:s6+s2], $0x7A00, $0x38;
	[tilespmem:$0x1B800] =	vst v63  }
0x36: {  	s26 =	simm.s32 @!p0 $0x0;
	s28 =	simm.s32 @!p0 $0x16E00  }
0x37: {  	[tilespmem:s28], [sflag:$0x4] =	stream.linear.gather @!p0 [hbm4b:s7+s26], $0x240, $0x38;
	[tilespmem:$0x1B800] =	vst v63  }
0x38: {  	s28 =	simm.s32 @!p0 $0x4  }
0x39: {  	_ =	swait.ge @!p0 [sflag:s28], $0x240  }
0x3a: {  	[sflag:s28] =	ssyncset.done @!p0 $0x0  }
0x3b: {  	s29 =	simm.s32 @!p0 $0x17080;
	[sflag:s28] =	ssyncadd.s32 @!p0 $0xFFFFFDC0  }
0x3c: {  	[tilespmem:s29], [sflag:$0x4] =	stream.linear.gather @!p0 [hbm4b:s8+s26], $0x240, $0x38;
	[tilespmem:$0x1B800] =	vst v63  }
0x3d: {  	_ =	swait.ge @!p0 [sflag:s28], $0x240  }
0x3e: {  	[sflag:s28] =	ssyncset.done @!p0 $0x0  }
0x3f: {  	s29 =	simm.s32 @!p0 $0x17300;
	[sflag:s28] =	ssyncadd.s32 @!p0 $0xFFFFFDC0  }
0x40: {  	[tilespmem:s29], [sflag:$0x4] =	stream.linear.gather @!p0 [hbm4b:s9+s26], $0x240, $0x38;
	[tilespmem:$0x1B800] =	vst v63  }
0x41: {  	_ =	swait.ge @!p0 [sflag:s28], $0x240  }
0x42: {  	[sflag:s28] =	ssyncset.done @!p0 $0x0  }
0x43: {  	s31 =	simm.s32 $0x17580;
	[sflag:s28] =	ssyncadd.s32 @!p0 $0xFFFFFDC0  }
0x44: {  	[tilespmem:s31], [sflag:$0x4] =	stream.linear.gather [hbm4b:s3+s2], $0x3800, $0x38;
	[tilespmem:$0x1B800] =	vst v63  }
0x45: {  	_ =	swait.ge [sflag:s16], $0x3800  }
0x46: {  	[sflag:s16] =	ssyncset.done $0x0  }
0x47: {  	[sflag:s16] =	ssyncadd.s32 $0xFFFFC800  }
0x48: {  	v4 =	vld [tilespmem:s31+$0x0];
	_ =	sdelay $0x2  }
0x49: {  	p1 =	sgt.u32 s10, $0x0;
	s28 =	simm.s32 $0x1  }
0x4a: {  	s28 =	simm.s32 @!p1 $0x0  }
0x4b: {  	s26 =	simm.s32 $0x1;
	v3 =	vadd.s32 v0, v4;
	v5 =	vmul.u32 s28, v4;
	s28 =	simm.s32 $0x175F0;
	v4 =	vimm.s32 $0x0  }
.LBB2_2:
0x4c: {  	v6 =	vld [tilespmem:s28+$0x0];
	p1 =	sne.s32 s26, $0x7F;
	s29 =	smov.u32 s26;
	s26 =	sadd.s32 $0x1, s26  }
.Ltmp2:
0x4d: {  	v4 =	vadd.s32 v4, v5;
	(pc) =	sbr.rel @p1 .LBB2_2-.Ltmp2, $4  }
0x4e: {  	_ = 	snop  }
0x4f: {  	p2 =	slt.u32 s29, s10;
	s29 =	simm.s32 $0x1  }
0x50: {  	s29 =	simm.s32 @!p2 $0x0  }
0x51: {  	s28 =	sadd.s32 $0x70, s28;
	v3 =	vadd.s32 v3, v6;
	v5 =	vmul.u32 s29, v6  }
0x52: {  	v6 =	vcvt.s32.f32 v3;
	_ =	sdelay $0x1  }
0x53: {  	v6 =	vmul.f32 $6.666667010e-02, v6;
	_ =	sdelay $0x1  }
0x54: {  	v4 =	vadd.s32 v4, v5;
	v5 =	vtrunc.f32 v6  }
0x55: {  	[tilespmem:$0x1AD80] =	vst v4;
	v5 =	vcvt.f32.s32 v5  }
0x56: {  	v6 =	vld [tilespmem:s11+$0x17580]  }
0x57: {  	v7 =	vmul.u32 $0xF, v5;
	_ =	sdelay $0x1  }
0x58: {  	v8 =	vadd.s32 $0xF, v7;
	vm0 =	vlt.s32 v3, v7  }
0x59: {  	v7 =	vsel vm0, $0xFFFFFFFF, v0;
	vm15 =	vge.s32 v3, v8  }
0x5a: {  	v3 =	vadd.s32 v4, v6;
	v4 =	vsel vm15, $0x1, v0;
	v5 =	vadd.s32 v5, v7  }
0x5b: {  	[tilespmem:$0x1ADF0] =	vst v3;
	v4 =	vadd.s32 v4, v5  }
0x5c: {  	v5 =	vld [tilespmem:s11+$0x175F0];
	v4 =	vcvt.s32.f32 v4;
	_ =	sdelay $0x1  }
0x5d: {  	(erf) = vrcp.f32 v4;
	_ =	sdelay $0x2  }
0x5e: {  	v3 =	vadd.s32 v3, v5  }
0x5f: {  	[tilespmem:$0x1AE60] =	vst v3  }
0x60: {  	v4 =	vld [tilespmem:s11+$0x17660]  }
0x61: {  	s26 =	simm.s32 $0x17590  }
0x62: {  	v5 =	vld [tilespmem:s26+$0x0];
	_ =	sdelay $0x1  }
0x63: {  	v6 =	vpop (erf)  }
0x64: {  	p1 =	sgt.u32 s10, $0x0;
	s28 =	simm.s32 $0x1;
	v3 =	vadd.s32 v3, v4;
	v6 =	vmul.f32 $1.000000240e+00, v6  }
0x65: {  	s28 =	simm.s32 @!p1 $0x0;
	v4 =	vimm.s32 $0x0;
	[tilespmem:$0x1AED0] =	vst v3  }
0x66: {  	s26 =	simm.s32 $0x1;
	v3 =	vadd.s32 v4, v5;
	v5 =	vmul.u32 s28, v5;
	s28 =	simm.s32 $0x17600;
	[tilespmem:$0x1AF80] =	vst v6  }
.LBB2_4:
0x67: {  	v6 =	vld [tilespmem:s28+$0x0];
	p1 =	sne.s32 s26, $0x7F;
	s29 =	smov.u32 s26;
	s26 =	sadd.s32 $0x1, s26  }
.Ltmp3:
0x68: {  	v4 =	vadd.s32 v4, v5;
	(pc) =	sbr.rel @p1 .LBB2_4-.Ltmp3, $4  }
0x69: {  	_ = 	snop  }
0x6a: {  	p2 =	slt.u32 s29, s10;
	s29 =	simm.s32 $0x1  }
0x6b: {  	s29 =	simm.s32 @!p2 $0x0  }
0x6c: {  	s28 =	sadd.s32 $0x70, s28;
	v3 =	vadd.s32 v3, v6;
	v5 =	vmul.u32 s29, v6  }
0x6d: {  	v6 =	vcvt.s32.f32 v3;
	_ =	sdelay $0x1  }
0x6e: {  	v6 =	vmul.f32 $6.666667010e-02, v6;
	_ =	sdelay $0x1  }
0x6f: {  	v4 =	vadd.s32 v4, v5;
	v5 =	vtrunc.f32 v6  }
0x70: {  	[tilespmem:$0x1AD90] =	vst v4;
	v5 =	vcvt.f32.s32 v5  }
0x71: {  	v6 =	vld [tilespmem:s11+$0x17590]  }
0x72: {  	v7 =	vmul.u32 $0xF, v5;
	_ =	sdelay $0x1  }
0x73: {  	v8 =	vadd.s32 $0xF, v7;
	vm0 =	vlt.s32 v3, v7  }
0x74: {  	v7 =	vsel vm0, $0xFFFFFFFF, v0;
	vm15 =	vge.s32 v3, v8  }
0x75: {  	v3 =	vadd.s32 v4, v6;
	v4 =	vsel vm15, $0x1, v0;
	v5 =	vadd.s32 v5, v7  }
0x76: {  	[tilespmem:$0x1AE00] =	vst v3;
	v4 =	vadd.s32 v4, v5  }
0x77: {  	v5 =	vld [tilespmem:s11+$0x17600];
	v4 =	vcvt.s32.f32 v4;
	_ =	sdelay $0x1  }
0x78: {  	(erf) = vrcp.f32 v4;
	_ =	sdelay $0x2  }
0x79: {  	v3 =	vadd.s32 v3, v5  }
0x7a: {  	[tilespmem:$0x1AE70] =	vst v3  }
0x7b: {  	v4 =	vld [tilespmem:s11+$0x17670]  }
0x7c: {  	s26 =	simm.s32 $0x175A0  }
0x7d: {  	v5 =	vld [tilespmem:s26+$0x0];
	_ =	sdelay $0x1  }
0x7e: {  	v6 =	vpop (erf)  }
0x7f: {  	p1 =	sgt.u32 s10, $0x0;
	s28 =	simm.s32 $0x1;
	v3 =	vadd.s32 v3, v4;
	v6 =	vmul.f32 $1.000000240e+00, v6  }
0x80: {  	s28 =	simm.s32 @!p1 $0x0;
	v4 =	vimm.s32 $0x0;
	[tilespmem:$0x1AEE0] =	vst v3  }
0x81: {  	s26 =	simm.s32 $0x1;
	v3 =	vadd.s32 v4, v5;
	v5 =	vmul.u32 s28, v5;
	s28 =	simm.s32 $0x17610;
	[tilespmem:$0x1AF90] =	vst v6  }
.LBB2_6:
0x82: {  	v6 =	vld [tilespmem:s28+$0x0];
	p1 =	sne.s32 s26, $0x7F;
	s29 =	smov.u32 s26;
	s26 =	sadd.s32 $0x1, s26  }
.Ltmp4:
0x83: {  	v4 =	vadd.s32 v4, v5;
	(pc) =	sbr.rel @p1 .LBB2_6-.Ltmp4, $4  }
0x84: {  	_ = 	snop  }
0x85: {  	p2 =	slt.u32 s29, s10;
	s29 =	simm.s32 $0x1  }
0x86: {  	s29 =	simm.s32 @!p2 $0x0  }
0x87: {  	s28 =	sadd.s32 $0x70, s28;
	v3 =	vadd.s32 v3, v6;
	v5 =	vmul.u32 s29, v6  }
0x88: {  	v6 =	vcvt.s32.f32 v3;
	_ =	sdelay $0x1  }
0x89: {  	v6 =	vmul.f32 $6.666667010e-02, v6;
	_ =	sdelay $0x1  }
0x8a: {  	v4 =	vadd.s32 v4, v5;
	v5 =	vtrunc.f32 v6  }
0x8b: {  	[tilespmem:$0x1ADA0] =	vst v4;
	v5 =	vcvt.f32.s32 v5  }
0x8c: {  	v6 =	vld [tilespmem:s11+$0x175A0]  }
0x8d: {  	v7 =	vmul.u32 $0xF, v5;
	_ =	sdelay $0x1  }
0x8e: {  	v8 =	vadd.s32 $0xF, v7;
	vm0 =	vlt.s32 v3, v7  }
0x8f: {  	v7 =	vsel vm0, $0xFFFFFFFF, v0;
	vm15 =	vge.s32 v3, v8  }
0x90: {  	v3 =	vadd.s32 v4, v6;
	v4 =	vsel vm15, $0x1, v0;
	v5 =	vadd.s32 v5, v7  }
0x91: {  	[tilespmem:$0x1AE10] =	vst v3;
	v4 =	vadd.s32 v4, v5  }
0x92: {  	v5 =	vld [tilespmem:s11+$0x17610];
	v4 =	vcvt.s32.f32 v4;
	_ =	sdelay $0x1  }
0x93: {  	(erf) = vrcp.f32 v4;
	_ =	sdelay $0x2  }
0x94: {  	v3 =	vadd.s32 v3, v5  }
0x95: {  	[tilespmem:$0x1AE80] =	vst v3  }
0x96: {  	v4 =	vld [tilespmem:s11+$0x17680]  }
0x97: {  	s26 =	simm.s32 $0x175B0  }
0x98: {  	v5 =	vld [tilespmem:s26+$0x0];
	_ =	sdelay $0x1  }
0x99: {  	v6 =	vpop (erf)  }
0x9a: {  	p1 =	sgt.u32 s10, $0x0;
	s28 =	simm.s32 $0x1;
	v3 =	vadd.s32 v3, v4;
	v6 =	vmul.f32 $1.000000240e+00, v6  }
0x9b: {  	s28 =	simm.s32 @!p1 $0x0;
	v4 =	vimm.s32 $0x0;
	[tilespmem:$0x1AEF0] =	vst v3  }
0x9c: {  	s26 =	simm.s32 $0x1;
	v3 =	vadd.s32 v4, v5;
	v5 =	vmul.u32 s28, v5;
	s28 =	simm.s32 $0x17620;
	[tilespmem:$0x1AFA0] =	vst v6  }
.LBB2_8:
0x9d: {  	v6 =	vld [tilespmem:s28+$0x0];
	p1 =	sne.s32 s26, $0x7F;
	s29 =	smov.u32 s26;
	s26 =	sadd.s32 $0x1, s26  }
.Ltmp5:
0x9e: {  	v4 =	vadd.s32 v4, v5;
	(pc) =	sbr.rel @p1 .LBB2_8-.Ltmp5, $4  }
0x9f: {  	_ = 	snop  }
0xa0: {  	p2 =	slt.u32 s29, s10;
	s29 =	simm.s32 $0x1  }
0xa1: {  	s29 =	simm.s32 @!p2 $0x0  }
0xa2: {  	s28 =	sadd.s32 $0x70, s28;
	v3 =	vadd.s32 v3, v6;
	v5 =	vmul.u32 s29, v6  }
0xa3: {  	v6 =	vcvt.s32.f32 v3;
	_ =	sdelay $0x1  }
0xa4: {  	v6 =	vmul.f32 $6.666667010e-02, v6;
	_ =	sdelay $0x1  }
0xa5: {  	v4 =	vadd.s32 v4, v5;
	v5 =	vtrunc.f32 v6  }
0xa6: {  	[tilespmem:$0x1ADB0] =	vst v4;
	v5 =	vcvt.f32.s32 v5  }
0xa7: {  	v6 =	vld [tilespmem:s11+$0x175B0]  }
0xa8: {  	v7 =	vmul.u32 $0xF, v5;
	_ =	sdelay $0x1  }
0xa9: {  	v8 =	vadd.s32 $0xF, v7;
	vm0 =	vlt.s32 v3, v7  }
0xaa: {  	v7 =	vsel vm0, $0xFFFFFFFF, v0;
	vm15 =	vge.s32 v3, v8  }
0xab: {  	v3 =	vadd.s32 v4, v6;
	v4 =	vsel vm15, $0x1, v0;
	v5 =	vadd.s32 v5, v7  }
0xac: {  	[tilespmem:$0x1AE20] =	vst v3;
	v4 =	vadd.s32 v4, v5  }
0xad: {  	v5 =	vld [tilespmem:s11+$0x17620];
	v4 =	vcvt.s32.f32 v4;
	_ =	sdelay $0x1  }
0xae: {  	(erf) = vrcp.f32 v4;
	_ =	sdelay $0x2  }
0xaf: {  	v3 =	vadd.s32 v3, v5  }
0xb0: {  	[tilespmem:$0x1AE90] =	vst v3  }
0xb1: {  	v4 =	vld [tilespmem:s11+$0x17690]  }
0xb2: {  	s26 =	simm.s32 $0x175C0  }
0xb3: {  	v5 =	vld [tilespmem:s26+$0x0];
	_ =	sdelay $0x1  }
0xb4: {  	v6 =	vpop (erf)  }
0xb5: {  	p1 =	sgt.u32 s10, $0x0;
	s28 =	simm.s32 $0x1;
	v3 =	vadd.s32 v3, v4;
	v6 =	vmul.f32 $1.000000240e+00, v6  }
0xb6: {  	s28 =	simm.s32 @!p1 $0x0;
	v4 =	vimm.s32 $0x0;
	[tilespmem:$0x1AF00] =	vst v3  }
0xb7: {  	s26 =	simm.s32 $0x1;
	v3 =	vadd.s32 v4, v5;
	v5 =	vmul.u32 s28, v5;
	s28 =	simm.s32 $0x17630;
	[tilespmem:$0x1AFB0] =	vst v6  }
.LBB2_10:
0xb8: {  	v6 =	vld [tilespmem:s28+$0x0];
	p1 =	sne.s32 s26, $0x7F;
	s29 =	smov.u32 s26;
	s26 =	sadd.s32 $0x1, s26  }
.Ltmp6:
0xb9: {  	v4 =	vadd.s32 v4, v5;
	(pc) =	sbr.rel @p1 .LBB2_10-.Ltmp6, $4  }
0xba: {  	_ = 	snop  }
0xbb: {  	p2 =	slt.u32 s29, s10;
	s29 =	simm.s32 $0x1  }
0xbc: {  	s29 =	simm.s32 @!p2 $0x0  }
0xbd: {  	s28 =	sadd.s32 $0x70, s28;
	v3 =	vadd.s32 v3, v6;
	v5 =	vmul.u32 s29, v6  }
0xbe: {  	v6 =	vcvt.s32.f32 v3;
	_ =	sdelay $0x1  }
0xbf: {  	v6 =	vmul.f32 $6.666667010e-02, v6;
	_ =	sdelay $0x1  }
0xc0: {  	v4 =	vadd.s32 v4, v5;
	v5 =	vtrunc.f32 v6  }
0xc1: {  	[tilespmem:$0x1ADC0] =	vst v4;
	v5 =	vcvt.f32.s32 v5  }
0xc2: {  	v6 =	vld [tilespmem:s11+$0x175C0]  }
0xc3: {  	v7 =	vmul.u32 $0xF, v5;
	_ =	sdelay $0x1  }
0xc4: {  	v8 =	vadd.s32 $0xF, v7;
	vm0 =	vlt.s32 v3, v7  }
0xc5: {  	v7 =	vsel vm0, $0xFFFFFFFF, v0;
	vm15 =	vge.s32 v3, v8  }
0xc6: {  	v3 =	vadd.s32 v4, v6;
	v4 =	vsel vm15, $0x1, v0;
	v5 =	vadd.s32 v5, v7  }
0xc7: {  	[tilespmem:$0x1AE30] =	vst v3;
	v4 =	vadd.s32 v4, v5  }
0xc8: {  	v5 =	vld [tilespmem:s11+$0x17630];
	v4 =	vcvt.s32.f32 v4;
	_ =	sdelay $0x1  }
0xc9: {  	(erf) = vrcp.f32 v4;
	_ =	sdelay $0x2  }
0xca: {  	v3 =	vadd.s32 v3, v5  }
0xcb: {  	[tilespmem:$0x1AEA0] =	vst v3  }
0xcc: {  	v4 =	vld [tilespmem:s11+$0x176A0]  }
0xcd: {  	s26 =	simm.s32 $0x175D0  }
0xce: {  	v5 =	vld [tilespmem:s26+$0x0];
	_ =	sdelay $0x1  }
0xcf: {  	v6 =	vpop (erf)  }
0xd0: {  	p1 =	sgt.u32 s10, $0x0;
	s28 =	simm.s32 $0x1;
	v3 =	vadd.s32 v3, v4;
	v6 =	vmul.f32 $1.000000240e+00, v6  }
0xd1: {  	s28 =	simm.s32 @!p1 $0x0;
	v4 =	vimm.s32 $0x0;
	[tilespmem:$0x1AF10] =	vst v3  }
0xd2: {  	s26 =	simm.s32 $0x1;
	v3 =	vadd.s32 v4, v5;
	v5 =	vmul.u32 s28, v5;
	s28 =	simm.s32 $0x17640;
	[tilespmem:$0x1AFC0] =	vst v6  }
.LBB2_12:
0xd3: {  	v6 =	vld [tilespmem:s28+$0x0];
	p1 =	sne.s32 s26, $0x7F;
	s29 =	smov.u32 s26;
	s26 =	sadd.s32 $0x1, s26  }
.Ltmp7:
0xd4: {  	v4 =	vadd.s32 v4, v5;
	(pc) =	sbr.rel @p1 .LBB2_12-.Ltmp7, $4  }
0xd5: {  	_ = 	snop  }
0xd6: {  	p2 =	slt.u32 s29, s10;
	s29 =	simm.s32 $0x1  }
0xd7: {  	s29 =	simm.s32 @!p2 $0x0  }
0xd8: {  	s28 =	sadd.s32 $0x70, s28;
	v3 =	vadd.s32 v3, v6;
	v5 =	vmul.u32 s29, v6  }
0xd9: {  	v6 =	vcvt.s32.f32 v3;
	_ =	sdelay $0x1  }
0xda: {  	v6 =	vmul.f32 $6.666667010e-02, v6;
	_ =	sdelay $0x1  }
0xdb: {  	v4 =	vadd.s32 v4, v5;
	v5 =	vtrunc.f32 v6  }
0xdc: {  	[tilespmem:$0x1ADD0] =	vst v4;
	v5 =	vcvt.f32.s32 v5  }
0xdd: {  	v6 =	vld [tilespmem:s11+$0x175D0]  }
0xde: {  	v7 =	vmul.u32 $0xF, v5;
	_ =	sdelay $0x1  }
0xdf: {  	v8 =	vadd.s32 $0xF, v7;
	vm0 =	vlt.s32 v3, v7  }
0xe0: {  	v7 =	vsel vm0, $0xFFFFFFFF, v0;
	vm15 =	vge.s32 v3, v8  }
0xe1: {  	v3 =	vadd.s32 v4, v6;
	v4 =	vsel vm15, $0x1, v0;
	v5 =	vadd.s32 v5, v7  }
0xe2: {  	[tilespmem:$0x1AE40] =	vst v3;
	v4 =	vadd.s32 v4, v5  }
0xe3: {  	v5 =	vld [tilespmem:s11+$0x17640];
	v4 =	vcvt.s32.f32 v4;
	_ =	sdelay $0x1  }
0xe4: {  	(erf) = vrcp.f32 v4;
	_ =	sdelay $0x2  }
0xe5: {  	v3 =	vadd.s32 v3, v5  }
0xe6: {  	[tilespmem:$0x1AEB0] =	vst v3  }
0xe7: {  	v4 =	vld [tilespmem:s11+$0x176B0]  }
0xe8: {  	s26 =	simm.s32 $0x175E0  }
0xe9: {  	v5 =	vld [tilespmem:s26+$0x0];
	_ =	sdelay $0x1  }
0xea: {  	v6 =	vpop (erf)  }
0xeb: {  	p1 =	sgt.u32 s10, $0x0;
	s28 =	simm.s32 $0x1;
	v3 =	vadd.s32 v3, v4;
	v6 =	vmul.f32 $1.000000240e+00, v6  }
0xec: {  	s28 =	simm.s32 @!p1 $0x0;
	v4 =	vimm.s32 $0x0;
	[tilespmem:$0x1AF20] =	vst v3  }
0xed: {  	s26 =	simm.s32 $0x1;
	v3 =	vadd.s32 v4, v5;
	v5 =	vmul.u32 s28, v5;
	s28 =	simm.s32 $0x17650;
	[tilespmem:$0x1AFD0] =	vst v6  }
.LBB2_14:
0xee: {  	v6 =	vld [tilespmem:s28+$0x0];
	p1 =	sne.s32 s26, $0x7F;
	s29 =	smov.u32 s26;
	s26 =	sadd.s32 $0x1, s26  }
.Ltmp8:
0xef: {  	v4 =	vadd.s32 v4, v5;
	(pc) =	sbr.rel @p1 .LBB2_14-.Ltmp8, $4  }
0xf0: {  	_ = 	snop  }
0xf1: {  	p2 =	slt.u32 s29, s10;
	s29 =	simm.s32 $0x1  }
0xf2: {  	s29 =	simm.s32 @!p2 $0x0  }
0xf3: {  	s28 =	sadd.s32 $0x70, s28;
	v3 =	vadd.s32 v3, v6;
	v5 =	vmul.u32 s29, v6  }
0xf4: {  	v6 =	vcvt.s32.f32 v3;
	_ =	sdelay $0x1  }
0xf5: {  	v6 =	vmul.f32 $6.666667010e-02, v6;
	_ =	sdelay $0x1  }
0xf6: {  	v4 =	vadd.s32 v4, v5;
	v57 =	vtrunc.f32 v6  }
0xf7: {  	[tilespmem:$0x1ADE0] =	vst v4;
	v5 =	vcvt.f32.s32 v57  }
0xf8: {  	v58 =	vld [tilespmem:s11+$0x175E0]  }
0xf9: {  	v7 =	vmul.u32 $0xF, v5;
	_ =	sdelay $0x1  }
0xfa: {  	v8 =	vadd.s32 $0xF, v7;
	vm0 =	vlt.s32 v3, v7  }
0xfb: {  	v7 =	vsel vm0, $0xFFFFFFFF, v0;
	vm15 =	vge.s32 v3, v8  }
0xfc: {  	v3 =	vadd.s32 v4, v58;
	v59 =	vsel vm15, $0x1, v0;
	v5 =	vadd.s32 v5, v7  }
0xfd: {  	[tilespmem:$0x1AE50] =	vst v3;
	v4 =	vadd.s32 v59, v5  }
0xfe: {  	v60 =	vld [tilespmem:s11+$0x17650];
	v4 =	vcvt.s32.f32 v4;
	_ =	sdelay $0x1  }
0xff: {  	(erf) = vrcp.f32 v4;
	_ =	sdelay $0x2  }
0x100: {  	v3 =	vadd.s32 v3, v60  }
0x101: {  	[tilespmem:$0x1AEC0] =	vst v3  }
0x102: {  	v61 =	vld [tilespmem:s11+$0x176C0];
	_ =	sdelay $0x3  }
0x103: {  	v62 =	vpop (erf)  }
0x104: {  	v3 =	vadd.s32 v3, v61;
	v63 =	vmul.f32 $1.000000240e+00, v62  }
0x105: {  	[tilespmem:$0x1AF30] =	vst v3  }
0x106: {  	s26 =	simm.s32 $0x40;
	s28 =	simm.s32 $0x0;
	[tilespmem:$0x1AFE0] =	vst v63  }
.LBB2_16:
0x107: {  	p1 =	sne.s32 s26, $0x1FC0;
	[tilespmem:s28+$0x1B000] =	vst v1;
	s28 =	smov.u32 s26;
	s26 =	sadd.s32 $0x40, s26  }
.Ltmp9:
0x108: {  	(pc) =	sbr.rel @p1 .LBB2_16-.Ltmp9, $2  }
0x109: {  	_ =	sdelay $0x2  }
0x10a: {  	s28 =	sshra.s32 s28, $0x2  }
0x10b: {  	[tilespmem:s28+$0x1B000] =	vst v1  }
0x10c: {  	_ =	swait.ge [sflag:s17], $0x7A00  }
0x10d: {  	[sflag:s17] =	ssyncset.done $0x0  }
0x10e: {  	[sflag:s17] =	ssyncadd.s32 $0xFFFF8600  }
0x10f: {  	_ =	swait.ge [sflag:s18], $0x7A00  }
0x110: {  	[sflag:s18] =	ssyncset.done $0x0  }
0x111: {  	[sflag:s18] =	ssyncadd.s32 $0xFFFF8600  }
0x112: {  	_ =	swait.ge [sflag:s19], $0x7A00  }
0x113: {  	s26 =	simm.s32 $0x0;
	[sflag:s19] =	ssyncset.done $0x0  }
0x114: {  	s30 =	sand.u32 $0x1FF0, s26;
	[sflag:s19] =	ssyncadd.s32 $0xFFFF8600  }
0x115: {  	v9 =	vld [tilespmem:s30+$0x1E80];
	_ =	sdelay $0x3  }
0x116: {  	v5 =	vld [tilespmem:s26+$0x0]  }
0x117: {  	(xrf1) =	vunique.msk.u32 $0xffff, v9;
	_ =	sdelay $0x3  }
0x118: {  	(xrf1) =	vunique.msk.u32 $0xffff, v5  }
0x119: {  	v6 =	vadd.s32 $0x70, v9  }
0x11a: {  	s29 =	sadd.s32 $0x1E80, s30  }
0x11b: {  	v7 =	vld [tilespmem:s29+$0xF400]  }
0x11c: {  	v3 =	vld [tilespmem:s30+$0x5B80]  }
0x11d: {  	v4 =	vld [tilespmem:s30+$0x3D00]  }
0x11e: {  	v10 =	vld.idx.msk [tilespmem:v6+s20+$0x0], $0xffff  }
0x11f: {  	v11 =	vld [tilespmem:s30+$0x9880]  }
0x120: {  	v12 =	vld.idx.msk [tilespmem:v5+s20+$0x0], $0xffff  }
0x121: {  	[tilespmem:v6+s20+$0x0] =	vst.idx.add.s32.msk $0xffff, v2  }
0x122: {  	s28 =	simm.s32 $0xF400;
	(xrf1) =	vunique.msk.u32 $0xffff, v3;
	v6 =	vld.idx.msk [tilespmem:v9+s21+$0x0], $0xffff;
	_, v13, _ =	vpop (xrf1)  }
0x123: {  	v8 =	vld [tilespmem:s28+$0x0];
	s29 =	simm.s32 $0x7A00;
	v10 =	vadd.s32 v10, v13  }
0x124: {  	v14 =	vld [tilespmem:s29+$0x0];
	(xrf1) =	vunique.msk.u32 $0xffff, v4;
	v10 =	vadd.s32 $0xFFFFFFFF, v10  }
0x125: {  	[tilespmem:v5+s20+$0x0] =	vst.idx.add.s32.msk $0xffff, v2;
	v10 =	vcvt.s32.f32 v10  }
0x126: {  	v13 =	vld.idx.msk [tilespmem:v5+s21+$0x0], $0xffff;
	_, v15, _ =	vpop (xrf1)  }
0x127: {  	s0 =	sadd.s32 $0x5B80, s30;
	v16 =	vadd.s32 $0x150, v3;
	v12 =	vadd.s32 v12, v15;
	v6 =	vmul.f32 v10, v6  }
0x128: {  	v17 =	vld [tilespmem:s0+$0xF400];
	v12 =	vadd.s32 $0xFFFFFFFF, v12  }
0x129: {  	v18 =	vld [tilespmem:s30+$0xD580];
	v12 =	vcvt.s32.f32 v12;
	v10 =	vadd.s32 $0xE0, v4;
	v6 =	vtrunc.f32 v6  }
0x12a: {  	s31 =	sadd.s32 $0x3D00, s30;
	v19 =	vld [tilespmem:s30+$0xB700];
	v6 =	vcvt.f32.s32 v6  }
0x12b: {  	v15 =	vld [tilespmem:s31+$0xF400];
	v12 =	vmul.f32 v12, v13  }
0x12c: {  	v13 =	vld.idx.msk [tilespmem:v16+s20+$0x0], $0xffff;
	vm0 =	vgt.s32 v6, $0x0  }
0x12d: {  	[tilespmem:v16+s20+$0x0] =	vst.idx.add.s32.msk $0xffff, v2;
	v12 =	vtrunc.f32 v12;
	v20 =	vnsel vm0, $0x0, v6  }
0x12e: {  	v7 =	vsub.f32 v11, v7;
	v12 =	vcvt.f32.s32 v12;
	v21 =	vld.idx.msk [tilespmem:v10+s20+$0x0], $0xffff;
	v11 =	vmin.u32 v20, $0xF  }
0x12f: {  	[tilespmem:v10+s20+$0x0] =	vst.idx.add.s32.msk $0xffff, v2;
	v11 =	vshll.u32 v11, $0x7  }
0x130: {  	v6 =	vsub.f32 v14, v8;
	_, v14, _ =	vpop (xrf1);
	vm15 =	vgt.s32 v12, $0x0;
	v10 =	vadd.s32 v9, v11;
	v11 =	vld.idx.msk [tilespmem:v3+s21+$0x0], $0xffff  }
0x131: {  	v8 =	vsub.f32 v18, v17;
	v13 =	vadd.s32 v13, v14;
	v12 =	vnsel vm15, $0x0, v12  }
0x132: {  	v14 =	vmin.u32 v12, $0xF;
	v16 =	vadd.s32 $0xFFFFFFFF, v13;
	v12 =	vld.idx.msk [tilespmem:v4+s21+$0x0], $0xffff;
	v9 =	vsub.f32 v19, v15;
	_, v15, _ =	vpop (xrf1)  }
0x133: {  	s30 =	simm.s32 $0x10;
	v13 =	vshll.u32 v14, $0x7;
	v14 =	vcvt.s32.f32 v16;
	v15 =	vadd.s32 v21, v15  }
.LBB2_18:
0x134: {  	v5 =	vadd.s32 v5, v13;
	v13 =	vadd.s32 $0xFFFFFFFF, v15;
	s26 =	sadd.s32 $0x10, s26;
	s29 =	sadd.s32 $0x10, s29;
	s28 =	sadd.s32 $0x10, s28  }
0x135: {  	s31 =	sand.u32 $0x1FF0, s30;
	p1 =	sne.s32 s30, $0x1E70;
	s30 =	sadd.s32 $0x10, s30;
	v13 =	vcvt.s32.f32 v13;
	v11 =	vmul.f32 v14, v11  }
0x136: {  	s0 =	sadd.s32 $0x1E80, s31;
	[tilespmem:v10+s22+$0x0] =	vst.idx.add.f32.msk $0xffff, v7  }
0x137: {  	v10 =	vld [tilespmem:s31+$0x1E80];
	v7 =	vmul.f32 v13, v12;
	v11 =	vtrunc.f32 v11  }
0x138: {  	v11 =	vcvt.f32.s32 v11  }
0x139: {  	[tilespmem:v5+s22+$0x0] =	vst.idx.add.f32.msk $0xffff, v6;
	v6 =	vtrunc.f32 v7  }
0x13a: {  	v5 =	vld [tilespmem:s26+$0x0];
	v6 =	vcvt.f32.s32 v6;
	vm0 =	vgt.s32 v11, $0x0  }
0x13b: {  	v7 =	vnsel vm0, $0x0, v11  }
0x13c: {  	v11 =	vadd.s32 $0x70, v10;
	vm0 =	vgt.s32 v6, $0x0;
	v7 =	vmin.u32 v7, $0xF  }
0x13d: {  	(xrf1) =	vunique.msk.u32 $0xffff, v10;
	v6 =	vnsel vm0, $0x0, v6;
	v7 =	vshll.u32 v7, $0x7  }
0x13e: {  	v12 =	vld [tilespmem:s28+$0x0];
	v6 =	vmin.u32 v6, $0xF;
	v3 =	vadd.s32 v3, v7  }
0x13f: {  	v7 =	vld [tilespmem:s0+$0xF400];
	(xrf1) =	vunique.msk.u32 $0xffff, v5;
	v6 =	vshll.u32 v6, $0x7  }
0x140: {  	v13 =	vld [tilespmem:s31+$0x9880];
	v4 =	vadd.s32 v4, v6  }
0x141: {  	v6 =	vld [tilespmem:s29+$0x0]  }
0x142: {  	v14 =	vld.idx.msk [tilespmem:v5+s20+$0x0], $0xffff  }
0x143: {  	[tilespmem:v3+s22+$0x0] =	vst.idx.add.f32.msk $0xffff, v8  }
0x144: {  	v3 =	vld [tilespmem:s31+$0x5B80]  }
0x145: {  	v7 =	vsub.f32 v13, v7;
	[tilespmem:v4+s22+$0x0] =	vst.idx.add.f32.msk $0xffff, v9  }
0x146: {  	v6 =	vsub.f32 v6, v12;
	v8 =	vld.idx.msk [tilespmem:v11+s20+$0x0], $0xffff  }
0x147: {  	v4 =	vld [tilespmem:s31+$0x3D00]  }
0x148: {  	[tilespmem:v11+s20+$0x0] =	vst.idx.add.s32.msk $0xffff, v2  }
0x149: {  	[tilespmem:v5+s20+$0x0] =	vst.idx.add.s32.msk $0xffff, v2;
	v9 =	vadd.s32 $0x150, v3;
	(xrf1) =	vunique.msk.u32 $0xffff, v3  }
0x14a: {  	v11 =	vld.idx.msk [tilespmem:v10+s21+$0x0], $0xffff  }
0x14b: {  	_, v12, _ =	vpop (xrf1)  }
0x14c: {  	v8 =	vadd.s32 v8, v12;
	v12 =	vadd.s32 $0xE0, v4;
	(xrf1) =	vunique.msk.u32 $0xffff, v4  }
0x14d: {  	v13 =	vld.idx.msk [tilespmem:v5+s21+$0x0], $0xffff;
	v8 =	vadd.s32 $0xFFFFFFFF, v8;
	_, v15, _ =	vpop (xrf1)  }
0x14e: {  	s0 =	sadd.s32 $0x3D00, s31;
	v14 =	vadd.s32 v14, v15;
	v8 =	vcvt.s32.f32 v8  }
0x14f: {  	v14 =	vadd.s32 $0xFFFFFFFF, v14;
	v15 =	vld [tilespmem:s0+$0xF400];
	s0 =	sadd.s32 $0x5B80, s31  }
0x150: {  	v14 =	vcvt.s32.f32 v14;
	v8 =	vmul.f32 v8, v11;
	v11 =	vld [tilespmem:s0+$0xF400]  }
0x151: {  	v16 =	vld [tilespmem:s31+$0xD580]  }
0x152: {  	v8 =	vtrunc.f32 v8;
	v17 =	vld.idx.msk [tilespmem:v9+s20+$0x0], $0xffff  }
0x153: {  	v13 =	vmul.f32 v14, v13;
	v8 =	vcvt.f32.s32 v8;
	[tilespmem:v9+s20+$0x0] =	vst.idx.add.s32.msk $0xffff, v2  }
0x154: {  	v9 =	vld [tilespmem:s31+$0xB700]  }
0x155: {  	v13 =	vtrunc.f32 v13;
	vm0 =	vgt.s32 v8, $0x0;
	v14 =	vld.idx.msk [tilespmem:v12+s20+$0x0], $0xffff  }
0x156: {  	v13 =	vcvt.f32.s32 v13;
	v18 =	vnsel vm0, $0x0, v8;
	[tilespmem:v12+s20+$0x0] =	vst.idx.add.s32.msk $0xffff, v2;
	v8 =	vsub.f32 v16, v11  }
.Ltmp10:
0x157: {  	v12 =	vmin.u32 v18, $0xF;
	v11 =	vld.idx.msk [tilespmem:v3+s21+$0x0], $0xffff;
	_, v16, _ =	vpop (xrf1);
	(pc) =	sbr.rel @p1 .LBB2_18-.Ltmp10, $4  }
0x158: {  	vm0 =	vgt.s32 v13, $0x0;
	v12 =	vshll.u32 v12, $0x7;
	v16 =	vadd.s32 v17, v16  }
0x159: {  	v13 =	vnsel vm0, $0x0, v13;
	v10 =	vadd.s32 v10, v12;
	v12 =	vld.idx.msk [tilespmem:v4+s21+$0x0], $0xffff;
	v9 =	vsub.f32 v9, v15  }
0x15a: {  	v13 =	vmin.u32 v13, $0xF;
	v16 =	vadd.s32 $0xFFFFFFFF, v16;
	_, v15, _ =	vpop (xrf1)  }
0x15b: {  	v13 =	vshll.u32 v13, $0x7;
	v15 =	vadd.s32 v14, v15;
	v14 =	vcvt.s32.f32 v16  }
0x15c: {  	v15 =	vadd.s32 $0xFFFFFFFF, v15  }
0x15d: {  	v15 =	vcvt.s32.f32 v15  }
0x15e: {  	v11 =	vmul.f32 v14, v11  }
0x15f: {  	v12 =	vmul.f32 v15, v12  }
0x160: {  	v11 =	vtrunc.f32 v11  }
0x161: {  	v11 =	vcvt.f32.s32 v11;
	v12 =	vtrunc.f32 v12  }
0x162: {  	v12 =	vcvt.f32.s32 v12  }
0x163: {  	vm0 =	vgt.s32 v11, $0x0  }
0x164: {  	v11 =	vnsel vm0, $0x0, v11;
	vm15 =	vgt.s32 v12, $0x0  }
0x165: {  	v11 =	vmin.u32 v11, $0xF;
	v12 =	vnsel vm15, $0x0, v12  }
0x166: {  	v5 =	vadd.s32 v5, v13;
	v11 =	vshll.u32 v11, $0x7;
	v12 =	vmin.u32 v12, $0xF  }
0x167: {  	v3 =	vadd.s32 v3, v11;
	v63 =	vshll.u32 v12, $0x7  }
0x168: {  	v4 =	vadd.s32 v4, v63  }
.Ltmp11:
0x169: {  	_ = 	snop;
	(pc) =	sbr.rel @p0 .LBB2_23-.Ltmp11, $4  }
0x16a: {  	[tilespmem:v10+s22+$0x0] =	vst.idx.add.f32.msk $0xffff, v7  }
0x16b: {  	[tilespmem:v5+s22+$0x0] =	vst.idx.add.f32.msk $0xffff, v6  }
0x16c: {  	[tilespmem:v3+s22+$0x0] =	vst.idx.add.f32.msk $0xffff, v8  }
0x16d: {  	[tilespmem:v4+s22+$0x0] =	vst.idx.add.f32.msk $0xffff, v9  }
0x16e: {  	s0 =	simm.s32 $0x0  }
0x16f: {  	v4 =	vld [tilespmem:s0+$0x16E00];
	_ =	sdelay $0x4  }
0x170: {  	(xrf1) =	vunique.msk.u32 $0xffff, v4;
	_ =	sdelay $0x4  }
0x171: {  	v3 =	vadd.s32 $0x150, v4;
	_ =	sdelay $0x4  }
0x172: {  	v5 =	vld.idx.msk [tilespmem:v3+s20+$0x0], $0xffff  }
0x173: {  	v6 =	vld [tilespmem:s0+$0x17300]  }
0x174: {  	v7 =	vld [tilespmem:s0+$0x17080]  }
0x175: {  	[tilespmem:v3+s20+$0x0] =	vst.idx.add.s32.msk $0xffff, v2  }
0x176: {  	v3 =	vld.idx.msk [tilespmem:v4+s21+$0x0], $0xffff;
	_, v8, _ =	vpop (xrf1)  }
0x177: {  	v5 =	vadd.s32 v5, v8  }
0x178: {  	v5 =	vadd.s32 $0xFFFFFFFF, v5  }
0x179: {  	v5 =	vcvt.s32.f32 v5;
	_ =	sdelay $0x1  }
0x17a: {  	v3 =	vmul.f32 v5, v3;
	_ =	sdelay $0x1  }
0x17b: {  	v3 =	vtrunc.f32 v3  }
0x17c: {  	v3 =	vcvt.f32.s32 v3;
	_ =	sdelay $0x1  }
0x17d: {  	vm0 =	vgt.s32 v3, $0x0  }
0x17e: {  	v3 =	vnsel vm0, $0x0, v3  }
0x17f: {  	v3 =	vmin.u32 v3, $0xF  }
0x180: {  	v5 =	vshll.u32 v3, $0x7  }
0x181: {  	v4 =	vadd.s32 v4, v5;
	_ =	sdelay $0x2  }
0x182: {  	s26 =	simm.s32 $0x40;
	s28 =	simm.s32 $0x80;
	v3 =	vsub.f32 v7, v6  }
.LBB2_21:
0x183: {  	p1 =	sne.s32 s28, $0x8C0  }
0x184: {  	s0 =	sshra.s32 s26, $0x2;
	[tilespmem:v4+s22+$0x0] =	vst.idx.add.f32.msk $0xffff, v3;
	s26 =	smov.u32 s28;
	s28 =	sadd.s32 $0x40, s28  }
0x185: {  	v4 =	vld [tilespmem:s0+$0x16E00];
	_ =	sdelay $0x4  }
0x186: {  	v3 =	vadd.s32 $0x150, v4;
	(xrf1) =	vunique.msk.u32 $0xffff, v4;
	_ =	sdelay $0x6  }
0x187: {  	v5 =	vld [tilespmem:s0+$0x17300]  }
0x188: {  	v6 =	vld [tilespmem:s0+$0x17080]  }
0x189: {  	v7 =	vld.idx.msk [tilespmem:v3+s20+$0x0], $0xffff  }
0x18a: {  	[tilespmem:v3+s20+$0x0] =	vst.idx.add.s32.msk $0xffff, v2;
	_ =	sdelay $0x2  }
0x18b: {  	v8 =	vld.idx.msk [tilespmem:v4+s21+$0x0], $0xffff;
	v3 =	vsub.f32 v6, v5  }
0x18c: {  	_, v5, _ =	vpop (xrf1)  }
0x18d: {  	v5 =	vadd.s32 v7, v5  }
0x18e: {  	v5 =	vadd.s32 $0xFFFFFFFF, v5  }
0x18f: {  	v5 =	vcvt.s32.f32 v5;
	_ =	sdelay $0x1  }
0x190: {  	v5 =	vmul.f32 v5, v8;
	_ =	sdelay $0x1  }
0x191: {  	v5 =	vtrunc.f32 v5  }
0x192: {  	v5 =	vcvt.f32.s32 v5;
	_ =	sdelay $0x1  }
.Ltmp12:
0x193: {  	vm0 =	vgt.s32 v5, $0x0;
	(pc) =	sbr.rel @p1 .LBB2_21-.Ltmp12, $4  }
0x194: {  	v5 =	vnsel vm0, $0x0, v5  }
0x195: {  	v5 =	vmin.u32 v5, $0xF  }
0x196: {  	v5 =	vshll.u32 v5, $0x7  }
0x197: {  	v4 =	vadd.s32 v4, v5  }
.Ltmp13:
0x198: {  	_ = 	snop;
	(pc) =	sbr.rel .LBB2_22-.Ltmp13, $1  }
0x199: {  	_ =	sdelay $0x3  }
.LBB2_24:
0x19a: {  	_ =	sfence.sel $0x180000  }
0x19b: {  	[bflag:$0x0] =	sbarrier.arrive $0xFFFF  }
0x19c: {  	_ =	strace $0x9000004A  }
0x19d: {  	[bflag:$0x2] =	sbarrier.arrive $0xFFFF  }
0x19e: {  	p0 =	sne.s32 s1, $0x0;
	s0 =	rddreg [dreg:$0x4]  }
0x19f: {  	s0 =	sadd.s32 @!p0 $0x100000, s0  }
0x1a0: {  	[sflag:s0] =	ssyncadd.tile.s32 @!p0 $0x1;
	_ =	shalt  }
.Lfunc_end2:
_tile_overlayer_lowered:
.L_overlay_start_2:
0x1a1: {  	(tag) =	ssettag $0x2  }
0x1a2: {  	s0 =	rddreg [dreg:$0x0];
	s2 =	stileid.u32  }
0x1a3: {  	s1 =	rddreg [dreg:$0x1];
	p0 =	sne.s32 s2, $0x0  }
0x1a4: {  	s3 =	rddreg [dreg:$0x2];
	[bflag:$0x3] =	sbarrier.arrive $0xFFFF;
	s2 =	simm.s32 @!p0 $0x1C04  }
0x1a5: {  	[timem:s3], [sflag:s2] =	dma.local @!p0 [hbm:s0], s1  }
0x1a6: {  	s0 =	simm.s32 @!p0 $0x4  }
0x1a7: {  	_ =	swait.ge @!p0 [sflag:s0], s1  }
0x1a8: {  	s1 =	ssub.s32 @!p0 $0x0, s1;
	[sflag:s0] =	ssyncset.done @!p0 $0x0  }
0x1a9: {  	[sflag:s0] =	ssyncadd.s32 @!p0 s1  }
0x1aa: {  	[bflag:$0x3] =	sbarrier.arrive $0xFFFF  }
0x1ab: {  	_ =	shalt  }

</sc_bundles>
